<compile_context>
chip_gen: v7x
topology: tpu7x:2x2x1
jax: 0.10.2.dev20260603
libtpu: 0.0.44.dev20260713+nightly
codegen_flags: <defaults>
</compile_context>

<pallas_src>
import functools

import jax
import jax.numpy as jnp
from jax import lax
from jax.experimental import pallas as pl
from jax.experimental.pallas import tpu as pltpu
from jax.experimental.pallas import tpu_sc as plsc

_D = 4096
_B = 4 * 4096
_NC, _NS = 2, 16
_NW = _NC * _NS
_BPW = _B // _NW
_C = 8
_NCHUNK = _BPW // _C
_NBUF = 3

_mesh = plsc.VectorSubcoreMesh(core_axis_name="c", subcore_axis_name="s")


@functools.partial(
    pl.kernel,
    out_type=jax.ShapeDtypeStruct((_B, _D), jnp.float32),
    mesh=_mesh,
    scratch_types=[
        pltpu.VMEM((_BPW,), jnp.int32),
    ]
    + [pltpu.VMEM((_C, _D), jnp.float32)] * _NBUF
    + [pltpu.SemaphoreType.DMA] * (2 * _NBUF),
)
def _gather_rows(idx_hbm, tab_hbm, out_hbm, idx_v,
                 b0, b1, b2, si0, si1, si2, so0, so1, so2):
    wid = lax.axis_index("s") * _NC + lax.axis_index("c")
    base = wid * _BPW
    pltpu.sync_copy(idx_hbm.at[pl.ds(base, _BPW)], idx_v)

    bufs = (b0, b1, b2)
    sin = (si0, si1, si2)
    sout = (so0, so1, so2)

    def gather_start(c, p):
        pltpu.async_copy(tab_hbm.at[idx_v.at[pl.ds(c * _C, _C)]],
                         bufs[p], sin[p])

    def gather_wait(p):
        pltpu.make_async_copy(tab_hbm.at[pl.ds(0, _C)], bufs[p],
                              sin[p]).wait()

    def scatter_start(c, p):
        pltpu.async_copy(bufs[p], out_hbm.at[pl.ds(base + c * _C, _C)],
                         sout[p])

    def scatter_wait(p):
        pltpu.make_async_copy(bufs[p], out_hbm.at[pl.ds(base, _C)],
                              sout[p]).wait()

    gather_start(0, 0)
    gather_start(1, 1)
    gather_start(2, 2)
    gather_wait(0)
    scatter_start(0, 0)

    @pl.loop(_NBUF, _NCHUNK - 1, step=_NBUF)
    def _(g):
        for p in range(_NBUF):
            i = g + p
            q = (p + 1) % _NBUF
            scatter_wait(p)
            gather_start(i, p)
            gather_wait(q)
            scatter_start(i - 2, q)

    scatter_wait(0)
    gather_start(_NCHUNK - 1, 0)
    gather_wait(1)
    scatter_start(_NCHUNK - 3, 1)
    gather_wait(2)
    scatter_start(_NCHUNK - 2, 2)
    gather_wait(0)
    scatter_start(_NCHUNK - 1, 0)
    scatter_wait(1)
    scatter_wait(2)
    scatter_wait(0)


def kernel(input_ids, embed_weight):
    ids = input_ids.reshape(-1).astype(jnp.int32)
    out = _gather_rows(ids, embed_weight)
    return out.reshape(input_ids.shape + (embed_weight.shape[1],))

# --- scband reference (transcript-rebuilt; emitter-appended) ---
"""Pipeline reference for scband-llama-embeddings-14809047237024 (READ-ONLY COPY).

The authoritative reference and input builder live on the scoring server;
editing this copy changes nothing except your own understanding.
"""

import jax, jax.numpy as jnp
import numpy as np

VOCAB_SIZE = 32000
HIDDEN_SIZE = 4096
BATCH = 4
SEQ_LEN = 4096

def setup_inputs(seed: int = 0) -> dict:
    key = jax.random.key(seed)
    k_idx, k_tab = jax.random.split(key)
    input_ids = jax.random.randint(k_idx, (BATCH, SEQ_LEN), 0, VOCAB_SIZE, dtype=jnp.int64 if jax.config.jax_enable_x64 else jnp.int32)
    embed_weight = jax.random.normal(k_tab, (VOCAB_SIZE, HIDDEN_SIZE), dtype=jnp.float32) * 0.02
    return {"input_ids": input_ids, "embed_weight": embed_weight}

def reference(input_ids, embed_weight):
    # nn.Embedding lookup: table[idx]
    return jnp.take(embed_weight, input_ids, axis=0)

if __name__ == "__main__":
    import jax
    _d = setup_inputs()
    print(jax.jit(kernel)(*tuple(_d.values())))

</pallas_src>

<mosaic_0001>
#map = affine_map<(d0, d1) -> (0)>
#map1 = affine_map<(d0, d1) -> (0, 0)>
module attributes {stable_mosaic.version = 14 : i64} {
  func.func @_gather_rows(%arg0: i32, %arg1: i32, %arg2: memref<16384xi32, #tpu.memory_space<hbm>>, %arg3: memref<32000x4096xf32, #tpu.memory_space<hbm>>, %arg4: memref<16384x4096xf32, #tpu.memory_space<hbm>>, %arg5: memref<512xi32, #tpu.memory_space<vmem>>, %arg6: memref<8x4096xf32, #tpu.memory_space<vmem>>, %arg7: memref<8x4096xf32, #tpu.memory_space<vmem>>, %arg8: memref<8x4096xf32, #tpu.memory_space<vmem>>, %arg9: memref<!tpu.dma_semaphore, #tpu.memory_space<semaphore_mem>>, %arg10: memref<!tpu.dma_semaphore, #tpu.memory_space<semaphore_mem>>, %arg11: memref<!tpu.dma_semaphore, #tpu.memory_space<semaphore_mem>>, %arg12: memref<!tpu.dma_semaphore, #tpu.memory_space<semaphore_mem>>, %arg13: memref<!tpu.dma_semaphore, #tpu.memory_space<semaphore_mem>>, %arg14: memref<!tpu.dma_semaphore, #tpu.memory_space<semaphore_mem>>) attributes {dimension_semantics = [#tpu.dimension_semantics<core_parallel>, #tpu.dimension_semantics<subcore_parallel>], iteration_bounds = array<i64: 2, 16>, scalar_prefetch = 0 : i64, scratch_operands = 10 : i64, tpu.core_type = #tpu.core_type<sc_vector_subcore>, window_params = [{transform_indices = #map}, {transform_indices = #map1}, {transform_indices = #map1}]} {
    %mul3A = arith.constant 2 : i32
    %mul3A_0 = arith.muli %arg1, %mul3A : i32
    %add3A = arith.addi %mul3A_0, %arg0 : i32
    %mul3A_1 = arith.constant 512 : i32
    %mul3A_2 = arith.muli %add3A, %mul3A_1 : i32
    "tpu.region"() ({
      %run_scoped3A = tpu.sem_alloc : memref<!tpu.dma_semaphore, #tpu.memory_space<semaphore_mem>>
      %dma_start3A_89 = tpu.memref_slice %arg2[%mul3A_2] : memref<16384xi32, #tpu.memory_space<hbm>> -> memref<512xi32, #tpu.memory_space<hbm>>
      %dma_start3A_90 = tpu.memref_slice %arg2[%mul3A_2] : memref<16384xi32, #tpu.memory_space<hbm>> -> memref<512xi32, #tpu.memory_space<hbm>>
      tpu.enqueue_dma source(%dma_start3A_90 : memref<512xi32, #tpu.memory_space<hbm>>) target(%arg5 : memref<512xi32, #tpu.memory_space<vmem>>) target_semaphore(%run_scoped3A : memref<!tpu.dma_semaphore, #tpu.memory_space<semaphore_mem>>)
      %dma_wait3A_91 = tpu.memref_slice %arg2[%mul3A_2] : memref<16384xi32, #tpu.memory_space<hbm>> -> memref<512xi32, #tpu.memory_space<hbm>>
      %dma_wait3A_92 = tpu.memref_slice %arg2[%mul3A_2] : memref<16384xi32, #tpu.memory_space<hbm>> -> memref<512xi32, #tpu.memory_space<hbm>>
      tpu.wait_dma2 semaphore(%run_scoped3A : memref<!tpu.dma_semaphore, #tpu.memory_space<semaphore_mem>>) src(%dma_wait3A_92 : memref<512xi32, #tpu.memory_space<hbm>>) dst(%arg5 : memref<512xi32, #tpu.memory_space<vmem>>)
      tpu.yield
    }) : () -> ()
    %dma_start3A = arith.constant 0 : i32
    %dma_start3A_3 = tpu.memref_slice %arg5[%dma_start3A] : memref<512xi32, #tpu.memory_space<vmem>> -> memref<8xi32, #tpu.memory_space<vmem>>
    %dma_start3A_4 = arith.constant 0 : i32
    %dma_start3A_5 = arith.constant 0 : i32
    %dma_start3A_6 = tpu.memref_slice %arg3[%dma_start3A_4, %dma_start3A_5] : memref<32000x4096xf32, #tpu.memory_space<hbm>> -> memref<32000x4096xf32, #tpu.memory_space<hbm>>
    tpu.enqueue_indirect_dma source(%dma_start3A_6 : memref<32000x4096xf32, #tpu.memory_space<hbm>>) target(%arg6 : memref<8x4096xf32, #tpu.memory_space<vmem>>) offsets(%dma_start3A_3 : memref<8xi32, #tpu.memory_space<vmem>>) semaphore(%arg9 : memref<!tpu.dma_semaphore, #tpu.memory_space<semaphore_mem>>)
    %dma_start3A_7 = arith.constant 8 : i32
    %dma_start3A_8 = tpu.memref_slice %arg5[%dma_start3A_7] : memref<512xi32, #tpu.memory_space<vmem>> -> memref<8xi32, #tpu.memory_space<vmem>>
    %dma_start3A_9 = arith.constant 0 : i32
    %dma_start3A_10 = arith.constant 0 : i32
    %dma_start3A_11 = tpu.memref_slice %arg3[%dma_start3A_9, %dma_start3A_10] : memref<32000x4096xf32, #tpu.memory_space<hbm>> -> memref<32000x4096xf32, #tpu.memory_space<hbm>>
    tpu.enqueue_indirect_dma source(%dma_start3A_11 : memref<32000x4096xf32, #tpu.memory_space<hbm>>) target(%arg7 : memref<8x4096xf32, #tpu.memory_space<vmem>>) offsets(%dma_start3A_8 : memref<8xi32, #tpu.memory_space<vmem>>) semaphore(%arg10 : memref<!tpu.dma_semaphore, #tpu.memory_space<semaphore_mem>>)
    %dma_start3A_12 = arith.constant 16 : i32
    %dma_start3A_13 = tpu.memref_slice %arg5[%dma_start3A_12] : memref<512xi32, #tpu.memory_space<vmem>> -> memref<8xi32, #tpu.memory_space<vmem>>
    %dma_start3A_14 = arith.constant 0 : i32
    %dma_start3A_15 = arith.constant 0 : i32
    %dma_start3A_16 = tpu.memref_slice %arg3[%dma_start3A_14, %dma_start3A_15] : memref<32000x4096xf32, #tpu.memory_space<hbm>> -> memref<32000x4096xf32, #tpu.memory_space<hbm>>
    tpu.enqueue_indirect_dma source(%dma_start3A_16 : memref<32000x4096xf32, #tpu.memory_space<hbm>>) target(%arg8 : memref<8x4096xf32, #tpu.memory_space<vmem>>) offsets(%dma_start3A_13 : memref<8xi32, #tpu.memory_space<vmem>>) semaphore(%arg11 : memref<!tpu.dma_semaphore, #tpu.memory_space<semaphore_mem>>)
    %dma_wait3A = arith.constant 0 : i32
    %dma_wait3A_17 = arith.constant 0 : i32
    %dma_wait3A_18 = tpu.memref_slice %arg3[%dma_wait3A, %dma_wait3A_17] : memref<32000x4096xf32, #tpu.memory_space<hbm>> -> memref<8x4096xf32, #tpu.memory_space<hbm>>
    %dma_wait3A_19 = arith.constant 0 : i32
    %dma_wait3A_20 = arith.constant 0 : i32
    %dma_wait3A_21 = tpu.memref_slice %arg3[%dma_wait3A_19, %dma_wait3A_20] : memref<32000x4096xf32, #tpu.memory_space<hbm>> -> memref<8x4096xf32, #tpu.memory_space<hbm>>
    tpu.wait_dma2 semaphore(%arg9 : memref<!tpu.dma_semaphore, #tpu.memory_space<semaphore_mem>>) src(%dma_wait3A_21 : memref<8x4096xf32, #tpu.memory_space<hbm>>) dst(%arg6 : memref<8x4096xf32, #tpu.memory_space<vmem>>)
    %add3A_22 = arith.constant 0 : i32
    %add3A_23 = arith.addi %mul3A_2, %add3A_22 : i32
    %dma_start3A_24 = arith.constant 0 : i32
    %dma_start3A_25 = tpu.memref_slice %arg4[%add3A_23, %dma_start3A_24] : memref<16384x4096xf32, #tpu.memory_space<hbm>> -> memref<8x4096xf32, #tpu.memory_space<hbm>>
    %dma_start3A_26 = arith.constant 0 : i32
    %dma_start3A_27 = tpu.memref_slice %arg4[%add3A_23, %dma_start3A_26] : memref<16384x4096xf32, #tpu.memory_space<hbm>> -> memref<8x4096xf32, #tpu.memory_space<hbm>>
    tpu.enqueue_dma source(%arg6 : memref<8x4096xf32, #tpu.memory_space<vmem>>) target(%dma_start3A_27 : memref<8x4096xf32, #tpu.memory_space<hbm>>) target_semaphore(%arg12 : memref<!tpu.dma_semaphore, #tpu.memory_space<semaphore_mem>>)
    %scan3A = arith.constant 0 : i32
    %scan3A_28 = arith.constant 20 : i32
    %scan3A_29 = arith.addi %scan3A, %scan3A_28 : i32
    %scan3A_30 = arith.constant 1 : i32
    scf.for %scan3A_89 = %scan3A to %scan3A_29 step %scan3A_30  : i32 {
      %mul3A_90 = arith.constant 3 : i32
      %mul3A_91 = arith.muli %scan3A_89, %mul3A_90 : i32
      %add3A_92 = arith.constant 3 : i32
      %add3A_93 = arith.addi %add3A_92, %mul3A_91 : i32
      %add3A_94 = arith.constant 0 : i32
      %add3A_95 = arith.addi %add3A_93, %add3A_94 : i32
      %dma_wait3A_96 = arith.constant 0 : i32
      %dma_wait3A_97 = tpu.memref_slice %arg4[%mul3A_2, %dma_wait3A_96] : memref<16384x4096xf32, #tpu.memory_space<hbm>> -> memref<8x4096xf32, #tpu.memory_space<hbm>>
      %dma_wait3A_98 = arith.constant 0 : i32
      %dma_wait3A_99 = tpu.memref_slice %arg4[%mul3A_2, %dma_wait3A_98] : memref<16384x4096xf32, #tpu.memory_space<hbm>> -> memref<8x4096xf32, #tpu.memory_space<hbm>>
      tpu.wait_dma2 semaphore(%arg12 : memref<!tpu.dma_semaphore, #tpu.memory_space<semaphore_mem>>) src(%arg6 : memref<8x4096xf32, #tpu.memory_space<vmem>>) dst(%dma_wait3A_99 : memref<8x4096xf32, #tpu.memory_space<hbm>>)
      %mul3A_100 = arith.constant 8 : i32
      %mul3A_101 = arith.muli %add3A_95, %mul3A_100 : i32
      %dma_start3A_102 = tpu.memref_slice %arg5[%mul3A_101] : memref<512xi32, #tpu.memory_space<vmem>> -> memref<8xi32, #tpu.memory_space<vmem>>
      %dma_start3A_103 = arith.constant 0 : i32
      %dma_start3A_104 = arith.constant 0 : i32
      %dma_start3A_105 = tpu.memref_slice %arg3[%dma_start3A_103, %dma_start3A_104] : memref<32000x4096xf32, #tpu.memory_space<hbm>> -> memref<32000x4096xf32, #tpu.memory_space<hbm>>
      tpu.enqueue_indirect_dma source(%dma_start3A_105 : memref<32000x4096xf32, #tpu.memory_space<hbm>>) target(%arg6 : memref<8x4096xf32, #tpu.memory_space<vmem>>) offsets(%dma_start3A_102 : memref<8xi32, #tpu.memory_space<vmem>>) semaphore(%arg9 : memref<!tpu.dma_semaphore, #tpu.memory_space<semaphore_mem>>)
      %dma_wait3A_106 = arith.constant 0 : i32
      %dma_wait3A_107 = arith.constant 0 : i32
      %dma_wait3A_108 = tpu.memref_slice %arg3[%dma_wait3A_106, %dma_wait3A_107] : memref<32000x4096xf32, #tpu.memory_space<hbm>> -> memref<8x4096xf32, #tpu.memory_space<hbm>>
      %dma_wait3A_109 = arith.constant 0 : i32
      %dma_wait3A_110 = arith.constant 0 : i32
      %dma_wait3A_111 = tpu.memref_slice %arg3[%dma_wait3A_109, %dma_wait3A_110] : memref<32000x4096xf32, #tpu.memory_space<hbm>> -> memref<8x4096xf32, #tpu.memory_space<hbm>>
      tpu.wait_dma2 semaphore(%arg10 : memref<!tpu.dma_semaphore, #tpu.memory_space<semaphore_mem>>) src(%dma_wait3A_111 : memref<8x4096xf32, #tpu.memory_space<hbm>>) dst(%arg7 : memref<8x4096xf32, #tpu.memory_space<vmem>>)
      %sub3A = arith.constant 2 : i32
      %sub3A_112 = arith.subi %add3A_95, %sub3A : i32
      %mul3A_113 = arith.constant 8 : i32
      %mul3A_114 = arith.muli %sub3A_112, %mul3A_113 : i32
      %add3A_115 = arith.addi %mul3A_2, %mul3A_114 : i32
      %dma_start3A_116 = arith.constant 0 : i32
      %dma_start3A_117 = tpu.memref_slice %arg4[%add3A_115, %dma_start3A_116] : memref<16384x4096xf32, #tpu.memory_space<hbm>> -> memref<8x4096xf32, #tpu.memory_space<hbm>>
      %dma_start3A_118 = arith.constant 0 : i32
      %dma_start3A_119 = tpu.memref_slice %arg4[%add3A_115, %dma_start3A_118] : memref<16384x4096xf32, #tpu.memory_space<hbm>> -> memref<8x4096xf32, #tpu.memory_space<hbm>>
      tpu.enqueue_dma source(%arg7 : memref<8x4096xf32, #tpu.memory_space<vmem>>) target(%dma_start3A_119 : memref<8x4096xf32, #tpu.memory_space<hbm>>) target_semaphore(%arg13 : memref<!tpu.dma_semaphore, #tpu.memory_space<semaphore_mem>>)
      %add3A_120 = arith.constant 1 : i32
      %add3A_121 = arith.addi %add3A_93, %add3A_120 : i32
      %dma_wait3A_122 = arith.constant 0 : i32
      %dma_wait3A_123 = tpu.memref_slice %arg4[%mul3A_2, %dma_wait3A_122] : memref<16384x4096xf32, #tpu.memory_space<hbm>> -> memref<8x4096xf32, #tpu.memory_space<hbm>>
      %dma_wait3A_124 = arith.constant 0 : i32
      %dma_wait3A_125 = tpu.memref_slice %arg4[%mul3A_2, %dma_wait3A_124] : memref<16384x4096xf32, #tpu.memory_space<hbm>> -> memref<8x4096xf32, #tpu.memory_space<hbm>>
      tpu.wait_dma2 semaphore(%arg13 : memref<!tpu.dma_semaphore, #tpu.memory_space<semaphore_mem>>) src(%arg7 : memref<8x4096xf32, #tpu.memory_space<vmem>>) dst(%dma_wait3A_125 : memref<8x4096xf32, #tpu.memory_space<hbm>>)
      %mul3A_126 = arith.constant 8 : i32
      %mul3A_127 = arith.muli %add3A_121, %mul3A_126 : i32
      %dma_start3A_128 = tpu.memref_slice %arg5[%mul3A_127] : memref<512xi32, #tpu.memory_space<vmem>> -> memref<8xi32, #tpu.memory_space<vmem>>
      %dma_start3A_129 = arith.constant 0 : i32
      %dma_start3A_130 = arith.constant 0 : i32
      %dma_start3A_131 = tpu.memref_slice %arg3[%dma_start3A_129, %dma_start3A_130] : memref<32000x4096xf32, #tpu.memory_space<hbm>> -> memref<32000x4096xf32, #tpu.memory_space<hbm>>
      tpu.enqueue_indirect_dma source(%dma_start3A_131 : memref<32000x4096xf32, #tpu.memory_space<hbm>>) target(%arg7 : memref<8x4096xf32, #tpu.memory_space<vmem>>) offsets(%dma_start3A_128 : memref<8xi32, #tpu.memory_space<vmem>>) semaphore(%arg10 : memref<!tpu.dma_semaphore, #tpu.memory_space<semaphore_mem>>)
      %dma_wait3A_132 = arith.constant 0 : i32
      %dma_wait3A_133 = arith.constant 0 : i32
      %dma_wait3A_134 = tpu.memref_slice %arg3[%dma_wait3A_132, %dma_wait3A_133] : memref<32000x4096xf32, #tpu.memory_space<hbm>> -> memref<8x4096xf32, #tpu.memory_space<hbm>>
      %dma_wait3A_135 = arith.constant 0 : i32
      %dma_wait3A_136 = arith.constant 0 : i32
      %dma_wait3A_137 = tpu.memref_slice %arg3[%dma_wait3A_135, %dma_wait3A_136] : memref<32000x4096xf32, #tpu.memory_space<hbm>> -> memref<8x4096xf32, #tpu.memory_space<hbm>>
      tpu.wait_dma2 semaphore(%arg11 : memref<!tpu.dma_semaphore, #tpu.memory_space<semaphore_mem>>) src(%dma_wait3A_137 : memref<8x4096xf32, #tpu.memory_space<hbm>>) dst(%arg8 : memref<8x4096xf32, #tpu.memory_space<vmem>>)
      %sub3A_138 = arith.constant 2 : i32
      %sub3A_139 = arith.subi %add3A_121, %sub3A_138 : i32
      %mul3A_140 = arith.constant 8 : i32
      %mul3A_141 = arith.muli %sub3A_139, %mul3A_140 : i32
      %add3A_142 = arith.addi %mul3A_2, %mul3A_141 : i32
      %dma_start3A_143 = arith.constant 0 : i32
      %dma_start3A_144 = tpu.memref_slice %arg4[%add3A_142, %dma_start3A_143] : memref<16384x4096xf32, #tpu.memory_space<hbm>> -> memref<8x4096xf32, #tpu.memory_space<hbm>>
      %dma_start3A_145 = arith.constant 0 : i32
      %dma_start3A_146 = tpu.memref_slice %arg4[%add3A_142, %dma_start3A_145] : memref<16384x4096xf32, #tpu.memory_space<hbm>> -> memref<8x4096xf32, #tpu.memory_space<hbm>>
      tpu.enqueue_dma source(%arg8 : memref<8x4096xf32, #tpu.memory_space<vmem>>) target(%dma_start3A_146 : memref<8x4096xf32, #tpu.memory_space<hbm>>) target_semaphore(%arg14 : memref<!tpu.dma_semaphore, #tpu.memory_space<semaphore_mem>>)
      %add3A_147 = arith.constant 2 : i32
      %add3A_148 = arith.addi %add3A_93, %add3A_147 : i32
      %dma_wait3A_149 = arith.constant 0 : i32
      %dma_wait3A_150 = tpu.memref_slice %arg4[%mul3A_2, %dma_wait3A_149] : memref<16384x4096xf32, #tpu.memory_space<hbm>> -> memref<8x4096xf32, #tpu.memory_space<hbm>>
      %dma_wait3A_151 = arith.constant 0 : i32
      %dma_wait3A_152 = tpu.memref_slice %arg4[%mul3A_2, %dma_wait3A_151] : memref<16384x4096xf32, #tpu.memory_space<hbm>> -> memref<8x4096xf32, #tpu.memory_space<hbm>>
      tpu.wait_dma2 semaphore(%arg14 : memref<!tpu.dma_semaphore, #tpu.memory_space<semaphore_mem>>) src(%arg8 : memref<8x4096xf32, #tpu.memory_space<vmem>>) dst(%dma_wait3A_152 : memref<8x4096xf32, #tpu.memory_space<hbm>>)
      %mul3A_153 = arith.constant 8 : i32
      %mul3A_154 = arith.muli %add3A_148, %mul3A_153 : i32
      %dma_start3A_155 = tpu.memref_slice %arg5[%mul3A_154] : memref<512xi32, #tpu.memory_space<vmem>> -> memref<8xi32, #tpu.memory_space<vmem>>
      %dma_start3A_156 = arith.constant 0 : i32
      %dma_start3A_157 = arith.constant 0 : i32
      %dma_start3A_158 = tpu.memref_slice %arg3[%dma_start3A_156, %dma_start3A_157] : memref<32000x4096xf32, #tpu.memory_space<hbm>> -> memref<32000x4096xf32, #tpu.memory_space<hbm>>
      tpu.enqueue_indirect_dma source(%dma_start3A_158 : memref<32000x4096xf32, #tpu.memory_space<hbm>>) target(%arg8 : memref<8x4096xf32, #tpu.memory_space<vmem>>) offsets(%dma_start3A_155 : memref<8xi32, #tpu.memory_space<vmem>>) semaphore(%arg11 : memref<!tpu.dma_semaphore, #tpu.memory_space<semaphore_mem>>)
      %dma_wait3A_159 = arith.constant 0 : i32
      %dma_wait3A_160 = arith.constant 0 : i32
      %dma_wait3A_161 = tpu.memref_slice %arg3[%dma_wait3A_159, %dma_wait3A_160] : memref<32000x4096xf32, #tpu.memory_space<hbm>> -> memref<8x4096xf32, #tpu.memory_space<hbm>>
      %dma_wait3A_162 = arith.constant 0 : i32
      %dma_wait3A_163 = arith.constant 0 : i32
      %dma_wait3A_164 = tpu.memref_slice %arg3[%dma_wait3A_162, %dma_wait3A_163] : memref<32000x4096xf32, #tpu.memory_space<hbm>> -> memref<8x4096xf32, #tpu.memory_space<hbm>>
      tpu.wait_dma2 semaphore(%arg9 : memref<!tpu.dma_semaphore, #tpu.memory_space<semaphore_mem>>) src(%dma_wait3A_164 : memref<8x4096xf32, #tpu.memory_space<hbm>>) dst(%arg6 : memref<8x4096xf32, #tpu.memory_space<vmem>>)
      %sub3A_165 = arith.constant 2 : i32
      %sub3A_166 = arith.subi %add3A_148, %sub3A_165 : i32
      %mul3A_167 = arith.constant 8 : i32
      %mul3A_168 = arith.muli %sub3A_166, %mul3A_167 : i32
      %add3A_169 = arith.addi %mul3A_2, %mul3A_168 : i32
      %dma_start3A_170 = arith.constant 0 : i32
      %dma_start3A_171 = tpu.memref_slice %arg4[%add3A_169, %dma_start3A_170] : memref<16384x4096xf32, #tpu.memory_space<hbm>> -> memref<8x4096xf32, #tpu.memory_space<hbm>>
      %dma_start3A_172 = arith.constant 0 : i32
      %dma_start3A_173 = tpu.memref_slice %arg4[%add3A_169, %dma_start3A_172] : memref<16384x4096xf32, #tpu.memory_space<hbm>> -> memref<8x4096xf32, #tpu.memory_space<hbm>>
      tpu.enqueue_dma source(%arg6 : memref<8x4096xf32, #tpu.memory_space<vmem>>) target(%dma_start3A_173 : memref<8x4096xf32, #tpu.memory_space<hbm>>) target_semaphore(%arg12 : memref<!tpu.dma_semaphore, #tpu.memory_space<semaphore_mem>>)
    }
    %scan3A_31 = arith.constant 20 : i32
    %dma_wait3A_32 = arith.constant 0 : i32
    %dma_wait3A_33 = tpu.memref_slice %arg4[%mul3A_2, %dma_wait3A_32] : memref<16384x4096xf32, #tpu.memory_space<hbm>> -> memref<8x4096xf32, #tpu.memory_space<hbm>>
    %dma_wait3A_34 = arith.constant 0 : i32
    %dma_wait3A_35 = tpu.memref_slice %arg4[%mul3A_2, %dma_wait3A_34] : memref<16384x4096xf32, #tpu.memory_space<hbm>> -> memref<8x4096xf32, #tpu.memory_space<hbm>>
    tpu.wait_dma2 semaphore(%arg12 : memref<!tpu.dma_semaphore, #tpu.memory_space<semaphore_mem>>) src(%arg6 : memref<8x4096xf32, #tpu.memory_space<vmem>>) dst(%dma_wait3A_35 : memref<8x4096xf32, #tpu.memory_space<hbm>>)
    %dma_start3A_36 = arith.constant 504 : i32
    %dma_start3A_37 = tpu.memref_slice %arg5[%dma_start3A_36] : memref<512xi32, #tpu.memory_space<vmem>> -> memref<8xi32, #tpu.memory_space<vmem>>
    %dma_start3A_38 = arith.constant 0 : i32
    %dma_start3A_39 = arith.constant 0 : i32
    %dma_start3A_40 = tpu.memref_slice %arg3[%dma_start3A_38, %dma_start3A_39] : memref<32000x4096xf32, #tpu.memory_space<hbm>> -> memref<32000x4096xf32, #tpu.memory_space<hbm>>
    tpu.enqueue_indirect_dma source(%dma_start3A_40 : memref<32000x4096xf32, #tpu.memory_space<hbm>>) target(%arg6 : memref<8x4096xf32, #tpu.memory_space<vmem>>) offsets(%dma_start3A_37 : memref<8xi32, #tpu.memory_space<vmem>>) semaphore(%arg9 : memref<!tpu.dma_semaphore, #tpu.memory_space<semaphore_mem>>)
    %dma_wait3A_41 = arith.constant 0 : i32
    %dma_wait3A_42 = arith.constant 0 : i32
    %dma_wait3A_43 = tpu.memref_slice %arg3[%dma_wait3A_41, %dma_wait3A_42] : memref<32000x4096xf32, #tpu.memory_space<hbm>> -> memref<8x4096xf32, #tpu.memory_space<hbm>>
    %dma_wait3A_44 = arith.constant 0 : i32
    %dma_wait3A_45 = arith.constant 0 : i32
    %dma_wait3A_46 = tpu.memref_slice %arg3[%dma_wait3A_44, %dma_wait3A_45] : memref<32000x4096xf32, #tpu.memory_space<hbm>> -> memref<8x4096xf32, #tpu.memory_space<hbm>>
    tpu.wait_dma2 semaphore(%arg10 : memref<!tpu.dma_semaphore, #tpu.memory_space<semaphore_mem>>) src(%dma_wait3A_46 : memref<8x4096xf32, #tpu.memory_space<hbm>>) dst(%arg7 : memref<8x4096xf32, #tpu.memory_space<vmem>>)
    %add3A_47 = arith.constant 488 : i32
    %add3A_48 = arith.addi %mul3A_2, %add3A_47 : i32
    %dma_start3A_49 = arith.constant 0 : i32
    %dma_start3A_50 = tpu.memref_slice %arg4[%add3A_48, %dma_start3A_49] : memref<16384x4096xf32, #tpu.memory_space<hbm>> -> memref<8x4096xf32, #tpu.memory_space<hbm>>
    %dma_start3A_51 = arith.constant 0 : i32
    %dma_start3A_52 = tpu.memref_slice %arg4[%add3A_48, %dma_start3A_51] : memref<16384x4096xf32, #tpu.memory_space<hbm>> -> memref<8x4096xf32, #tpu.memory_space<hbm>>
    tpu.enqueue_dma source(%arg7 : memref<8x4096xf32, #tpu.memory_space<vmem>>) target(%dma_start3A_52 : memref<8x4096xf32, #tpu.memory_space<hbm>>) target_semaphore(%arg13 : memref<!tpu.dma_semaphore, #tpu.memory_space<semaphore_mem>>)
    %dma_wait3A_53 = arith.constant 0 : i32
    %dma_wait3A_54 = arith.constant 0 : i32
    %dma_wait3A_55 = tpu.memref_slice %arg3[%dma_wait3A_53, %dma_wait3A_54] : memref<32000x4096xf32, #tpu.memory_space<hbm>> -> memref<8x4096xf32, #tpu.memory_space<hbm>>
    %dma_wait3A_56 = arith.constant 0 : i32
    %dma_wait3A_57 = arith.constant 0 : i32
    %dma_wait3A_58 = tpu.memref_slice %arg3[%dma_wait3A_56, %dma_wait3A_57] : memref<32000x4096xf32, #tpu.memory_space<hbm>> -> memref<8x4096xf32, #tpu.memory_space<hbm>>
    tpu.wait_dma2 semaphore(%arg11 : memref<!tpu.dma_semaphore, #tpu.memory_space<semaphore_mem>>) src(%dma_wait3A_58 : memref<8x4096xf32, #tpu.memory_space<hbm>>) dst(%arg8 : memref<8x4096xf32, #tpu.memory_space<vmem>>)
    %add3A_59 = arith.constant 496 : i32
    %add3A_60 = arith.addi %mul3A_2, %add3A_59 : i32
    %dma_start3A_61 = arith.constant 0 : i32
    %dma_start3A_62 = tpu.memref_slice %arg4[%add3A_60, %dma_start3A_61] : memref<16384x4096xf32, #tpu.memory_space<hbm>> -> memref<8x4096xf32, #tpu.memory_space<hbm>>
    %dma_start3A_63 = arith.constant 0 : i32
    %dma_start3A_64 = tpu.memref_slice %arg4[%add3A_60, %dma_start3A_63] : memref<16384x4096xf32, #tpu.memory_space<hbm>> -> memref<8x4096xf32, #tpu.memory_space<hbm>>
    tpu.enqueue_dma source(%arg8 : memref<8x4096xf32, #tpu.memory_space<vmem>>) target(%dma_start3A_64 : memref<8x4096xf32, #tpu.memory_space<hbm>>) target_semaphore(%arg14 : memref<!tpu.dma_semaphore, #tpu.memory_space<semaphore_mem>>)
    %dma_wait3A_65 = arith.constant 0 : i32
    %dma_wait3A_66 = arith.constant 0 : i32
    %dma_wait3A_67 = tpu.memref_slice %arg3[%dma_wait3A_65, %dma_wait3A_66] : memref<32000x4096xf32, #tpu.memory_space<hbm>> -> memref<8x4096xf32, #tpu.memory_space<hbm>>
    %dma_wait3A_68 = arith.constant 0 : i32
    %dma_wait3A_69 = arith.constant 0 : i32
    %dma_wait3A_70 = tpu.memref_slice %arg3[%dma_wait3A_68, %dma_wait3A_69] : memref<32000x4096xf32, #tpu.memory_space<hbm>> -> memref<8x4096xf32, #tpu.memory_space<hbm>>
    tpu.wait_dma2 semaphore(%arg9 : memref<!tpu.dma_semaphore, #tpu.memory_space<semaphore_mem>>) src(%dma_wait3A_70 : memref<8x4096xf32, #tpu.memory_space<hbm>>) dst(%arg6 : memref<8x4096xf32, #tpu.memory_space<vmem>>)
    %add3A_71 = arith.constant 504 : i32
    %add3A_72 = arith.addi %mul3A_2, %add3A_71 : i32
    %dma_start3A_73 = arith.constant 0 : i32
    %dma_start3A_74 = tpu.memref_slice %arg4[%add3A_72, %dma_start3A_73] : memref<16384x4096xf32, #tpu.memory_space<hbm>> -> memref<8x4096xf32, #tpu.memory_space<hbm>>
    %dma_start3A_75 = arith.constant 0 : i32
    %dma_start3A_76 = tpu.memref_slice %arg4[%add3A_72, %dma_start3A_75] : memref<16384x4096xf32, #tpu.memory_space<hbm>> -> memref<8x4096xf32, #tpu.memory_space<hbm>>
    tpu.enqueue_dma source(%arg6 : memref<8x4096xf32, #tpu.memory_space<vmem>>) target(%dma_start3A_76 : memref<8x4096xf32, #tpu.memory_space<hbm>>) target_semaphore(%arg12 : memref<!tpu.dma_semaphore, #tpu.memory_space<semaphore_mem>>)
    %dma_wait3A_77 = arith.constant 0 : i32
    %dma_wait3A_78 = tpu.memref_slice %arg4[%mul3A_2, %dma_wait3A_77] : memref<16384x4096xf32, #tpu.memory_space<hbm>> -> memref<8x4096xf32, #tpu.memory_space<hbm>>
    %dma_wait3A_79 = arith.constant 0 : i32
    %dma_wait3A_80 = tpu.memref_slice %arg4[%mul3A_2, %dma_wait3A_79] : memref<16384x4096xf32, #tpu.memory_space<hbm>> -> memref<8x4096xf32, #tpu.memory_space<hbm>>
    tpu.wait_dma2 semaphore(%arg13 : memref<!tpu.dma_semaphore, #tpu.memory_space<semaphore_mem>>) src(%arg7 : memref<8x4096xf32, #tpu.memory_space<vmem>>) dst(%dma_wait3A_80 : memref<8x4096xf32, #tpu.memory_space<hbm>>)
    %dma_wait3A_81 = arith.constant 0 : i32
    %dma_wait3A_82 = tpu.memref_slice %arg4[%mul3A_2, %dma_wait3A_81] : memref<16384x4096xf32, #tpu.memory_space<hbm>> -> memref<8x4096xf32, #tpu.memory_space<hbm>>
    %dma_wait3A_83 = arith.constant 0 : i32
    %dma_wait3A_84 = tpu.memref_slice %arg4[%mul3A_2, %dma_wait3A_83] : memref<16384x4096xf32, #tpu.memory_space<hbm>> -> memref<8x4096xf32, #tpu.memory_space<hbm>>
    tpu.wait_dma2 semaphore(%arg14 : memref<!tpu.dma_semaphore, #tpu.memory_space<semaphore_mem>>) src(%arg8 : memref<8x4096xf32, #tpu.memory_space<vmem>>) dst(%dma_wait3A_84 : memref<8x4096xf32, #tpu.memory_space<hbm>>)
    %dma_wait3A_85 = arith.constant 0 : i32
    %dma_wait3A_86 = tpu.memref_slice %arg4[%mul3A_2, %dma_wait3A_85] : memref<16384x4096xf32, #tpu.memory_space<hbm>> -> memref<8x4096xf32, #tpu.memory_space<hbm>>
    %dma_wait3A_87 = arith.constant 0 : i32
    %dma_wait3A_88 = tpu.memref_slice %arg4[%mul3A_2, %dma_wait3A_87] : memref<16384x4096xf32, #tpu.memory_space<hbm>> -> memref<8x4096xf32, #tpu.memory_space<hbm>>
    tpu.wait_dma2 semaphore(%arg12 : memref<!tpu.dma_semaphore, #tpu.memory_space<semaphore_mem>>) src(%arg6 : memref<8x4096xf32, #tpu.memory_space<vmem>>) dst(%dma_wait3A_88 : memref<8x4096xf32, #tpu.memory_space<hbm>>)
    return
  }
}

</mosaic_0001>

<sc_bundles>
// kernel: kernel.3.cloned.1.call-start
scs
__scs_entry_jumppad:
0x0: {  	(pc) =	sbr.rel $0x88, $3  }
0x1: {  	(tag) =	ssettag $0x0;
	lr =	simm.s32 $0x1  }
0x2: {  	[smem:$0x3F9F] =	sst lr;
	_ =	strace $0xD0000000  }
0x3: {  	_ = 	snop  }
0x4: {  	_ = 	snop  }
0x5: {  	_ = 	snop  }
0x6: {  	_ = 	snop  }
0x7: {  	_ = 	snop  }
__scs_overlays_trampoline_lowered:
0x8: {  	[smem:$0x3FAE] =	sst s0  }
0x9: {  	[smem:$0x3FAF] =	sst s1  }
0xa: {  	[smem:$0x3FB0] =	sst s2  }
0xb: {  	[smem:$0x3FB1] =	sst s3  }
0xc: {  	[smem:$0x3FB2] =	sst s4  }
0xd: {  	[smem:$0x3FB3] =	sst s5  }
0xe: {  	[smem:$0x3FB4] =	sst s6  }
0xf: {  	[smem:$0x3FB5] =	sst s7  }
0x10: {  	[smem:$0x3FB6] =	sst s8  }
0x11: {  	[smem:$0x3FB7] =	sst s9;
	s0 =	simm.s32 @!p0 $0x0  }
0x12: {  	s1 =	sld [smem:$0x3F9D];
	s0 =	simm.s32 @p0 $0x1  }
0x13: {  	[smem:$0x3FB8] =	sst s0;
	s0 =	simm.s32 @!p1 $0x0  }
0x14: {  	s2 =	sld [smem:$0x3F9C];
	s0 =	simm.s32 @p1 $0x1  }
0x15: {  	[smem:$0x3FB9] =	sst s0;
	s0 =	simm.s32 @!p2 $0x0  }
0x16: {  	s3 =	sld [smem:$0x3FDB];
	s0 =	simm.s32 @p2 $0x1  }
0x17: {  	s4 =	simm.s32 $0x1BF5;
	[smem:$0x3FBB] =	sst s0  }
0x18: {  	s0 =	sld [smem:$0x3F9E];
	_ =	swait.ge [sflag:s4], $0x0  }
0x19: {  	s7 =	sld [smem:$0x3F9F]  }
0x1a: {  	s8 =	sadd.s32 $0xFFFFE003, lr  }
0x1b: {  	s9 =	sadd.s32 $0xFFFFFEF7, lr;
	s5 =	simm.s32 $0xFFFFFFFF;
	p2 =	slt.u32 s8, $0xFFFFF086  }
0x1c: {  	p1 =	slt.u32 s9, $0xF7A;
	s5 =	simm.s32 @!p2 $0x0  }
0x1d: {  	s5 =	simm.s32 @p1 $0x1;
	p0 =	seq.s32 s7, s2  }
0x1e: {  	s7 =	smul.u32 @!p0 $0xF7A, s2;
	p2 =	seq.s32 @!p0 s5, $0x0  }
0x1f: {  	s9 =	smul.u32 $0xF7A, s1;
	s8 =	simm.s32 @!p0 $0x1BF5;
	p2 =	por !p2, p0  }
0x20: {  	[sflag:s8] =	ssyncset.s32 @!p0 $0xFFFFF086;
	s6 =	sadd.s32 @!p0 s3, s7;
	s7 =	simm.s32 @!p0 $0x108  }
0x21: {  	s3 =	sadd.s32 s3, s9;
	s6 =	sadd.s32 @!p0 $0x88, s6;
	s7 =	simm.s32 @p2 $0x1082  }
0x22: {  	[simem:s7], [sflag:s8] =	dma.local @!p0 [hbm:s6], $0xF7A  }
0x23: {  	s9 =	sor.u32 $0xD0000000, s2;
	s6 =	simm.s32 $0x108;
	_ =	swait.ge @!p0 [sflag:s8], $0x0  }
0x24: {  	s3 =	sadd.s32 $0x88, s3;
	s6 =	simm.s32 @!p1 $0x1082;
	[sflag:s4] =	ssyncset.s32 $0xFFFFF086  }
0x25: {  	[simem:s6], [sflag:s4] =	dma.local [hbm:s3], $0xF7A  }
0x26: {  	[smem:$0x3F9F] =	sst s1;
	(tag) =	ssettag s2;
	_ =	strace s9  }
0x27: {  	s1 =	sld [smem:$0x3FAF]  }
0x28: {  	s2 =	sld [smem:$0x3FB0]  }
0x29: {  	s4 =	sld [smem:$0x3FB2]  }
0x2a: {  	p0 =	seq.s32 s5, $0x0;
	s5 =	sld [smem:$0x3FB3]  }
0x2b: {  	s6 =	sld [smem:$0x3FB4]  }
0x2c: {  	s7 =	sld [smem:$0x3FB5]  }
0x2d: {  	s3 =	simm.s32 $0x108;
	s8 =	sld [smem:$0x3FB6]  }
0x2e: {  	s3 =	simm.s32 @!p0 $0x1082;
	s9 =	sld [smem:$0x3FB7]  }
0x2f: {  	lr =	sadd.s32 s0, s3;
	s0 =	sld [smem:$0x3FAE]  }
0x30: {  	s3 =	sld [smem:$0x3FB1]  }
0x31: {  	[smem:$0x3FBA] =	sst s10  }
0x32: {  	s10 =	sld [smem:$0x3FB8];
	_ =	sdelay $0x3  }
0x33: {  	p0 =	seq.s32 s10, $0x1;
	s10 =	sld [smem:$0x3FBA];
	_ =	sdelay $0x3  }
0x34: {  	[smem:$0x3FBA] =	sst s10  }
0x35: {  	s10 =	sld [smem:$0x3FB9];
	_ =	sdelay $0x3  }
0x36: {  	p1 =	seq.s32 s10, $0x1;
	s10 =	sld [smem:$0x3FBA];
	_ =	sdelay $0x3  }
0x37: {  	[smem:$0x3FBA] =	sst s10  }
0x38: {  	s10 =	sld [smem:$0x3FBB]  }
0x39: {  	_ = 	snop;
	(pc) =	sbr.ind lr, $3  }
0x3a: {  	_ = 	snop  }
0x3b: {  	_ = 	snop  }
0x3c: {  	p2 =	seq.s32 s10, $0x1;
	s10 =	sld [smem:$0x3FBA]  }
0x3d: {  	_ =	shalt  }
0x3e: {  	_ =	shalt  }
0x3f: {  	_ =	shalt  }
0x40: {  	_ =	shalt  }
0x41: {  	_ =	shalt  }
0x42: {  	_ =	shalt  }
0x43: {  	_ =	shalt  }
0x44: {  	_ =	shalt  }
0x45: {  	_ =	shalt  }
0x46: {  	_ =	shalt  }
0x47: {  	_ =	shalt  }
0x48: {  	_ =	shalt  }
0x49: {  	_ =	shalt  }
0x4a: {  	_ =	shalt  }
0x4b: {  	_ =	shalt  }
0x4c: {  	_ =	shalt  }
0x4d: {  	_ =	shalt  }
0x4e: {  	_ =	shalt  }
0x4f: {  	_ =	shalt  }
0x50: {  	_ =	shalt  }
0x51: {  	_ =	shalt  }
0x52: {  	_ =	shalt  }
0x53: {  	_ =	shalt  }
0x54: {  	_ =	shalt  }
0x55: {  	_ =	shalt  }
0x56: {  	_ =	shalt  }
0x57: {  	_ =	shalt  }
0x58: {  	_ =	shalt  }
0x59: {  	_ =	shalt  }
0x5a: {  	_ =	shalt  }
0x5b: {  	_ =	shalt  }
0x5c: {  	_ =	shalt  }
0x5d: {  	_ =	shalt  }
0x5e: {  	_ =	shalt  }
0x5f: {  	_ =	shalt  }
0x60: {  	_ =	shalt  }
0x61: {  	_ =	shalt  }
0x62: {  	_ =	shalt  }
0x63: {  	_ =	shalt  }
0x64: {  	_ =	shalt  }
0x65: {  	_ =	shalt  }
0x66: {  	_ =	shalt  }
0x67: {  	_ =	shalt  }
0x68: {  	_ =	shalt  }
0x69: {  	_ =	shalt  }
0x6a: {  	_ =	shalt  }
0x6b: {  	_ =	shalt  }
0x6c: {  	_ =	shalt  }
0x6d: {  	_ =	shalt  }
0x6e: {  	_ =	shalt  }
0x6f: {  	_ =	shalt  }
0x70: {  	_ =	shalt  }
0x71: {  	_ =	shalt  }
0x72: {  	_ =	shalt  }
0x73: {  	_ =	shalt  }
0x74: {  	_ =	shalt  }
0x75: {  	_ =	shalt  }
0x76: {  	_ =	shalt  }
0x77: {  	_ =	shalt  }
0x78: {  	_ =	shalt  }
0x79: {  	_ =	shalt  }
0x7a: {  	_ =	shalt  }
0x7b: {  	_ =	shalt  }
0x7c: {  	_ =	shalt  }
0x7d: {  	_ =	shalt  }
0x7e: {  	_ =	shalt  }
0x7f: {  	_ =	shalt  }
0x80: {  	_ =	shalt  }
0x81: {  	_ =	shalt  }
0x82: {  	_ =	shalt  }
0x83: {  	_ =	shalt  }
0x84: {  	_ =	shalt  }
0x85: {  	_ =	shalt  }
0x86: {  	_ =	shalt  }
0x87: {  	_ =	shalt  }
.Lfunc_end0:
.L_simem_size_0:
called_computation_lowered:
.L_overlay_start_0:
0x88: {  	s2 =	sld [smem:$0x3FD9]  }
0x89: {  	s3 =	sld [smem:$0x3FFE];
	_ =	sdelay $0x1  }
0x8a: {  	s1 =	srdreg.scid  }
0x8b: {  	s0 =	sand.u32 $0x1, s1  }
0x8c: {  	s17 =	sshll.u32 s0, $0xA;
	s2 =	sadd.s32 s3, s2  }
0x8d: {  	s2 =	sadd.s32 s2, s17  }
0x8e: {  	[smem:$0x3FC6] =	sst s2  }
0x8f: {  	_ = 	snop  }
0x90: {  	s2 =	sld [smem:$0x3FC8]  }
0x91: {  	s18 =	sld [smem:$0x3FD0];
	(tm) =	ssettm $0x1  }
0x92: {  	s4 =	sld [smem:$0x3FFB];
	_ =	sdelay $0x3  }
0x93: {  	_ =	strace s4  }
0x94: {  	s4 =	sld [smem:$0x3FFC];
	_ =	sdelay $0x3  }
0x95: {  	_ =	strace s4  }
0x96: {  	s4 =	sld [smem:$0x3FFD];
	_ =	sdelay $0x3  }
0x97: {  	_ =	strace s4  }
0x98: {  	_ =	strace $0x8FFFFFFF  }
0x99: {  	s19 =	sld [smem:$0x3FDB];
	_ =	sdelay $0x1  }
0x9a: {  	s5 =	simm.s32 $_scs_section_size  }
0x9b: {  	s6 =	simm.s32 $_size__tile_overlayer_lowered;
	s7 =	simm.s32 $_tile_overlayer_lowered  }
0x9c: {  	s22 =	simm.s32 $0x1BFF;
	s21 =	sshll.u32 s7, $0x1;
	s4 =	sadd.s32 s5, s19  }
0x9d: {  	s8 =	simm.s32 $0x0;
	s20 =	sshll.u32 s6, $0x1;
	s6 =	sadd.s32 s21, s4  }
0x9e: {  	[timem:s8], [sflag:s22] =	dma.local [hbm:s6], s20  }
0x9f: {  	_ =	swait.ge [sflag:s22], s20  }
0xa0: {  	s5 =	ssub.s32 $0x0, s20;
	[sflag:s22] =	ssyncset.done $0x0  }
0xa1: {  	[sflag:s22] =	ssyncadd.s32 s5;
	_ =	sdelay $0x1  }
0xa2: {  	s23 =	simm.s32 $0x1B8B  }
0xa3: {  	_ =	swait.ge [sflag:s23], $0x1  }
0xa4: {  	[sflag:s23] =	ssyncset.done $0x0  }
0xa5: {  	s25 =	simm.s32 $0x1B8E;
	s24 =	sld [smem:$0x3FFE];
	[sflag:s23] =	ssyncadd.s32 $0xFFFFFFFF  }
0xa6: {  	s26 =	simm.s32 $execute0_lowered;
	[smem:$0x3FD2] =	sst s25  }
0xa7: {  	s6 =	sshll.u32 s26, $0x1;
	_ =	strace $0x80000046;
	[dreg:$0x1] =	wrdreg $0xFFFFFFFF  }
0xa8: {  	s28 =	simm.s32 $_size_execute0_lowered;
	s4 =	sadd.s32 s4, s6;
	[dreg:$0x0] =	wrdreg $0x0  }
0xa9: {  	s6 =	sshll.u32 s28, $0x1;
	[dreg:$0x2] =	wrdreg s4  }
0xaa: {  	[dreg:$0x3] =	wrdreg s6  }
0xab: {  	[dreg:$0x4] =	wrdreg $0xC0  }
0xac: {  	_ =	task [dreg:s8], $0x5FFFF  }
0xad: {  	[dreg:$0x1] =	wrdreg $0xFFFFFFFF  }
0xae: {  	[dreg:$0x0] =	wrdreg $0x60  }
0xaf: {  	[dreg:$0x2] =	wrdreg s24  }
0xb0: {  	[dreg:$0x3] =	wrdreg s2  }
0xb1: {  	[dreg:$0x4] =	wrdreg s18  }
0xb2: {  	[dreg:$0x5] =	wrdreg $0x9  }
0xb3: {  	_ =	task.clear_ibuf [dreg:s8], $0x6FFFF;
	_ =	strace $0x90000046  }
0xb4: {  	s29 =	simm.s32 $0x9;
	_ =	strace $0x80000048  }
0xb5: {  	_ =	swait.ge [sflag:s29], $0x1  }
0xb6: {  	[sflag:s29] =	ssyncadd.s32 $0xFFFFFFFF  }
0xb7: {  	_ =	strace $0x90000048  }
0xb8: {  	_ =	sfence  }
0xb9: {  	s30 =	sld [smem:$0x0];
	_ =	sdelay $0x2  }
0xba: {  	s31 =	sshll.u32 s1, $0xD;
	s1 =	sshrl.u32 s1, $0x2  }
0xbb: {  	s3 =	sand.u32 $0x4000, s31;
	s1 =	sadd.s32 s1, s30  }
0xbc: {  	s0 =	sor.u32 s3, s0;
	s1 =	sshll.u32 s1, $0x11  }
0xbd: {  	s0 =	sor.u32 s1, s0  }
0xbe: {  	s0 =	sadd.s32 $0x8F2B, s0  }
0xbf: {  	[sflag:s0] =	ssyncadd.remote.s32 $0x1  }
0xc0: {  	_ =	sfence.sel $0xFFFF  }
0xc1: {  	[dreg:$0x0] =	wrdreg $0xFFFFFFFF;
	(pc) =	sbr.abs _section_cstart, $3  }
0xc2: {  	[dreg:$0x1] =	wrdreg $0xFFFFFFFF  }
0xc3: {  	_ =	task.clear_ibuf [dreg:s8], $0x2FFFF;
	_ =	strace $0x9FFFFFFF  }
0xc4: {  	(tm) =	ssettm $0x7FFFFFFF  }
0xc5: {  	_ =	shalt  }
tec
execute0_lowered:
.L_overlay_start_1:
0x0: {  	(tag) =	ssettag $0x1  }
0x1: {  	s0 =	rddreg [dreg:$0x0]  }
0x2: {  	s1 =	srdreg.scid;
	s2 =	rddreg [dreg:$0x1]  }
0x3: {  	s21 =	stileid.u32;
	s4 =	rddreg [dreg:$0x2]  }
0x4: {  	s3 =	simm.s32 $0x0;
	s28 =	simm.s32 $0x9A00;
	s29 =	simm.s32 $0xA200  }
0x5: {  	s30 =	simm.s32 $0xAA00;
	s31 =	simm.s32 $0x6;
	s1 =	sand.u32 $0x1, s1  }
0x6: {  	s5 =	sshll.u32 s21, $0xA;
	[smem:$0x7FF] =	sst s3;
	s7 =	sadd.s32 $0x300, s2  }
0x7: {  	s8 =	sadd.s32 $0x400, s2;
	s9 =	sadd.s32 $0x500, s2;
	s10 =	sadd.s32 $0x600, s2  }
0x8: {  	s11 =	sadd.s32 $0x700, s2;
	s12 =	sadd.s32 $0x800, s2;
	s13 =	sadd.s32 $0x900, s2  }
0x9: {  	s14 =	sadd.s32 $0xA00, s2;
	s15 =	sadd.s32 $0xB00, s2;
	s16 =	sadd.s32 $0xC00, s2  }
0xa: {  	s18 =	sadd.s32 $0xE00, s2;
	s23 =	sshll.u32 s21, $0x13;
	s21 =	simm.s32 $0x8200  }
0xb: {  	s6 =	sshll.u32 s1, $0x9;
	s19 =	ssub.s32 $0x2, s1;
	_ =	strace $0x80000047  }
0xc: {  	s1 =	sshll.u32 s1, $0x12;
	s17 =	sor.u32 s6, s5;
	s20 =	sshrl.u32 s19, $0x1  }
0xd: {  	s6 =	sadd.s32 $0x200, s2;
	s5 =	sshrl.u32 s17, $0x3;
	s22 =	sshll.u32 s17, $0x9  }
0xe: {  	s19 =	ssub.s32 s19, s20;
	s17 =	sadd.s32 $0xD00, s2;
	s22 =	sadd.s32 s4, s22  }
0xf: {  	s0 =	sadd.s32 s5, s0;
	s26 =	smax.u32 s19, $0x1;
	[dreg:$0x6] =	wrdreg s22  }
0x10: {  	s20 =	sadd.s32 $0xF00, s2;
	s0 =	sadd.s32 $0x400, s0;
	[dreg:$0xa] =	wrdreg s26  }
0x11: {  	s5 =	sadd.s32 $0x100, s2;
	s24 =	sadd.s32 $0x3E000, s22;
	[dreg:$0x5] =	wrdreg s0  }
0x12: {  	s19 =	simm.s32 $0x3;
	s25 =	sadd.s32 $0x3F000, s22;
	[dreg:$0x8] =	wrdreg s24  }
0x13: {  	s26 =	simm.s32 $0x8A00;
	s0 =	sadd.s32 $0x3D000, s22;
	[dreg:$0x9] =	wrdreg s25  }
0x14: {  	s25 =	simm.s32 $0x9200;
	[dreg:$0x7] =	wrdreg s0;
	s0 =	sadd.s32 s23, s4  }
0x15: {  	v0 =	vlaneseq.u32;
	s22 =	simm.s32 $0x10200;
	s24 =	simm.s32 $0x5;
	s0 =	sadd.s32 s1, s0  }
0x16: {  	v1 =	vshrl.u32 v0, $0x3;
	s23 =	simm.s32 $0x4;
	s1 =	simm.s32 $0x0;
	[dreg:$0x4] =	wrdreg s0  }
0x17: {  	vm0 =	vmmov $0xffff;
	v0 =	vand.u32 $0x7, v0;
	v1 =	vmul.u32 $0x8, v1;
	s4 =	simm.s32 $0x2;
	s0 =	simm.s32 $0x1;
	[dreg:$0xb] =	wrdreg s1  }
.LBB2_1:
0x18: {  	s1 =	rddreg [dreg:$0x5]  }
0x19: {  	[tilespmem:s3], [sflag:$0x7] =	stream.linear.gather [hbm4b:s1+s3], $0x200, $0x38;
	[tilespmem:$0x18200] =	vst v63  }
0x1a: {  	s1 =	simm.s32 $0x7  }
0x1b: {  	_ =	swait.ge [sflag:s1], $0x200  }
0x1c: {  	[sflag:s1] =	ssyncset.done $0x0  }
0x1d: {  	[sflag:s1] =	ssyncadd.s32 $0xFFFFFE00  }
0x1e: {  	v2 =	vld.msk [tilespmem:$0x0], $0xff;
	_ =	sdelay $0x4  }
0x1f: {  	v3 =	vshll.u32 v2, $0x5  }
0x20: {  	v2 =	vand.u32 $0x7, v2;
	v3 =	vand.u32 $0xFFFFFF00, v3  }
0x21: {  	v2 =	vor.u32 v2, v3  }
0x22: {  	v2 =	vperm.xlane v2, v0;
	_ =	sdelay $0x1  }
0x23: {  	v2 =	vadd.s32 v1, v2;
	_ =	sdelay $0x3  }
0x24: {  	s1 =	simm.s32 $0x200  }
0x25: {  	[tilespmem:s1], [sflag:$0x1] =	stream.indirect_vreg.gather [hbm4b:s2+s3], $0x80, v2, vm0, $0xb8;
	[tilespmem:$0x18200] =	vst v63  }
0x26: {  	s1 =	simm.s32 $0xA00  }
0x27: {  	[tilespmem:s1], [sflag:$0x1] =	stream.indirect_vreg.gather [hbm4b:s5+s3], $0x80, v2, vm0, $0xb8;
	[tilespmem:$0x18200] =	vst v63  }
0x28: {  	s1 =	simm.s32 $0x1200  }
0x29: {  	[tilespmem:s1], [sflag:$0x1] =	stream.indirect_vreg.gather [hbm4b:s6+s3], $0x80, v2, vm0, $0xb8;
	[tilespmem:$0x18200] =	vst v63  }
0x2a: {  	s1 =	simm.s32 $0x1A00  }
0x2b: {  	[tilespmem:s1], [sflag:$0x1] =	stream.indirect_vreg.gather [hbm4b:s7+s3], $0x80, v2, vm0, $0xb8;
	[tilespmem:$0x18200] =	vst v63  }
0x2c: {  	s1 =	simm.s32 $0x2200  }
0x2d: {  	[tilespmem:s1], [sflag:$0x1] =	stream.indirect_vreg.gather [hbm4b:s8+s3], $0x80, v2, vm0, $0xb8;
	[tilespmem:$0x18200] =	vst v63  }
0x2e: {  	s1 =	simm.s32 $0x2A00  }
0x2f: {  	[tilespmem:s1], [sflag:$0x1] =	stream.indirect_vreg.gather [hbm4b:s9+s3], $0x80, v2, vm0, $0xb8;
	[tilespmem:$0x18200] =	vst v63  }
0x30: {  	s1 =	simm.s32 $0x3200  }
0x31: {  	[tilespmem:s1], [sflag:$0x1] =	stream.indirect_vreg.gather [hbm4b:s10+s3], $0x80, v2, vm0, $0xb8;
	[tilespmem:$0x18200] =	vst v63  }
0x32: {  	s1 =	simm.s32 $0x3A00  }
0x33: {  	[tilespmem:s1], [sflag:$0x1] =	stream.indirect_vreg.gather [hbm4b:s11+s3], $0x80, v2, vm0, $0xb8;
	[tilespmem:$0x18200] =	vst v63  }
0x34: {  	s1 =	simm.s32 $0x4200  }
0x35: {  	[tilespmem:s1], [sflag:$0x1] =	stream.indirect_vreg.gather [hbm4b:s12+s3], $0x80, v2, vm0, $0xb8;
	[tilespmem:$0x18200] =	vst v63  }
0x36: {  	s1 =	simm.s32 $0x4A00  }
0x37: {  	[tilespmem:s1], [sflag:$0x1] =	stream.indirect_vreg.gather [hbm4b:s13+s3], $0x80, v2, vm0, $0xb8;
	[tilespmem:$0x18200] =	vst v63  }
0x38: {  	s1 =	simm.s32 $0x5200  }
0x39: {  	[tilespmem:s1], [sflag:$0x1] =	stream.indirect_vreg.gather [hbm4b:s14+s3], $0x80, v2, vm0, $0xb8;
	[tilespmem:$0x18200] =	vst v63  }
0x3a: {  	s1 =	simm.s32 $0x5A00  }
0x3b: {  	[tilespmem:s1], [sflag:$0x1] =	stream.indirect_vreg.gather [hbm4b:s15+s3], $0x80, v2, vm0, $0xb8;
	[tilespmem:$0x18200] =	vst v63  }
0x3c: {  	s1 =	simm.s32 $0x6200  }
0x3d: {  	[tilespmem:s1], [sflag:$0x1] =	stream.indirect_vreg.gather [hbm4b:s16+s3], $0x80, v2, vm0, $0xb8;
	[tilespmem:$0x18200] =	vst v63  }
0x3e: {  	s1 =	simm.s32 $0x6A00  }
0x3f: {  	[tilespmem:s1], [sflag:$0x1] =	stream.indirect_vreg.gather [hbm4b:s17+s3], $0x80, v2, vm0, $0xb8;
	[tilespmem:$0x18200] =	vst v63  }
0x40: {  	s1 =	simm.s32 $0x7200  }
0x41: {  	[tilespmem:s1], [sflag:$0x1] =	stream.indirect_vreg.gather [hbm4b:s18+s3], $0x80, v2, vm0, $0xb8;
	[tilespmem:$0x18200] =	vst v63  }
0x42: {  	s1 =	simm.s32 $0x7A00  }
0x43: {  	[tilespmem:s1], [sflag:$0x1] =	stream.indirect_vreg.gather [hbm4b:s20+s3], $0x80, v2, vm0, $0xb8;
	[tilespmem:$0x18200] =	vst v63  }
0x44: {  	v2 =	vld.msk [tilespmem:$0x8], $0xff;
	_ =	sdelay $0x4  }
0x45: {  	v3 =	vshll.u32 v2, $0x5  }
0x46: {  	v2 =	vand.u32 $0x7, v2;
	v3 =	vand.u32 $0xFFFFFF00, v3  }
0x47: {  	v2 =	vor.u32 v2, v3  }
0x48: {  	v2 =	vperm.xlane v2, v0;
	_ =	sdelay $0x1  }
0x49: {  	v2 =	vadd.s32 v1, v2;
	_ =	sdelay $0x4  }
0x4a: {  	[tilespmem:s21], [sflag:$0x2] =	stream.indirect_vreg.gather [hbm4b:s2+s3], $0x80, v2, vm0, $0xb8;
	[tilespmem:$0x18200] =	vst v63  }
0x4b: {  	_ = 	snop  }
0x4c: {  	[tilespmem:s26], [sflag:$0x2] =	stream.indirect_vreg.gather [hbm4b:s5+s3], $0x80, v2, vm0, $0xb8;
	[tilespmem:$0x18200] =	vst v63  }
0x4d: {  	_ = 	snop  }
0x4e: {  	[tilespmem:s25], [sflag:$0x2] =	stream.indirect_vreg.gather [hbm4b:s6+s3], $0x80, v2, vm0, $0xb8;
	[tilespmem:$0x18200] =	vst v63  }
0x4f: {  	_ = 	snop  }
0x50: {  	[tilespmem:s28], [sflag:$0x2] =	stream.indirect_vreg.gather [hbm4b:s7+s3], $0x80, v2, vm0, $0xb8;
	[tilespmem:$0x18200] =	vst v63  }
0x51: {  	_ = 	snop  }
0x52: {  	[tilespmem:s29], [sflag:$0x2] =	stream.indirect_vreg.gather [hbm4b:s8+s3], $0x80, v2, vm0, $0xb8;
	[tilespmem:$0x18200] =	vst v63  }
0x53: {  	_ = 	snop  }
0x54: {  	[tilespmem:s30], [sflag:$0x2] =	stream.indirect_vreg.gather [hbm4b:s9+s3], $0x80, v2, vm0, $0xb8;
	[tilespmem:$0x18200] =	vst v63  }
0x55: {  	s25 =	simm.s32 $0xB200  }
0x56: {  	[tilespmem:s25], [sflag:$0x2] =	stream.indirect_vreg.gather [hbm4b:s10+s3], $0x80, v2, vm0, $0xb8;
	[tilespmem:$0x18200] =	vst v63  }
0x57: {  	s26 =	simm.s32 $0xBA00  }
0x58: {  	[tilespmem:s26], [sflag:$0x2] =	stream.indirect_vreg.gather [hbm4b:s11+s3], $0x80, v2, vm0, $0xb8;
	[tilespmem:$0x18200] =	vst v63  }
0x59: {  	s29 =	simm.s32 $0xC200  }
0x5a: {  	[tilespmem:s29], [sflag:$0x2] =	stream.indirect_vreg.gather [hbm4b:s12+s3], $0x80, v2, vm0, $0xb8;
	[tilespmem:$0x18200] =	vst v63  }
0x5b: {  	s30 =	simm.s32 $0xCA00  }
0x5c: {  	[tilespmem:s30], [sflag:$0x2] =	stream.indirect_vreg.gather [hbm4b:s13+s3], $0x80, v2, vm0, $0xb8;
	[tilespmem:$0x18200] =	vst v63  }
0x5d: {  	s21 =	simm.s32 $0xD200  }
0x5e: {  	[tilespmem:s21], [sflag:$0x2] =	stream.indirect_vreg.gather [hbm4b:s14+s3], $0x80, v2, vm0, $0xb8;
	[tilespmem:$0x18200] =	vst v63  }
0x5f: {  	s25 =	simm.s32 $0xDA00  }
0x60: {  	[tilespmem:s25], [sflag:$0x2] =	stream.indirect_vreg.gather [hbm4b:s15+s3], $0x80, v2, vm0, $0xb8;
	[tilespmem:$0x18200] =	vst v63  }
0x61: {  	s26 =	simm.s32 $0xE200  }
0x62: {  	[tilespmem:s26], [sflag:$0x2] =	stream.indirect_vreg.gather [hbm4b:s16+s3], $0x80, v2, vm0, $0xb8;
	[tilespmem:$0x18200] =	vst v63  }
0x63: {  	s29 =	simm.s32 $0xEA00  }
0x64: {  	[tilespmem:s29], [sflag:$0x2] =	stream.indirect_vreg.gather [hbm4b:s17+s3], $0x80, v2, vm0, $0xb8;
	[tilespmem:$0x18200] =	vst v63  }
0x65: {  	s30 =	simm.s32 $0xF200  }
0x66: {  	[tilespmem:s30], [sflag:$0x2] =	stream.indirect_vreg.gather [hbm4b:s18+s3], $0x80, v2, vm0, $0xb8;
	[tilespmem:$0x18200] =	vst v63  }
0x67: {  	s21 =	simm.s32 $0xFA00  }
0x68: {  	[tilespmem:s21], [sflag:$0x2] =	stream.indirect_vreg.gather [hbm4b:s20+s3], $0x80, v2, vm0, $0xb8;
	[tilespmem:$0x18200] =	vst v63  }
0x69: {  	v2 =	vld.msk [tilespmem:$0x10], $0xff;
	_ =	sdelay $0x4  }
0x6a: {  	v3 =	vshll.u32 v2, $0x5  }
0x6b: {  	v2 =	vand.u32 $0x7, v2;
	v3 =	vand.u32 $0xFFFFFF00, v3  }
0x6c: {  	v2 =	vor.u32 v2, v3  }
0x6d: {  	v2 =	vperm.xlane v2, v0;
	_ =	sdelay $0x1  }
0x6e: {  	v2 =	vadd.s32 v1, v2;
	_ =	sdelay $0x4  }
0x6f: {  	[tilespmem:s22], [sflag:$0x3] =	stream.indirect_vreg.gather [hbm4b:s2+s3], $0x80, v2, vm0, $0xb8;
	[tilespmem:$0x18200] =	vst v63  }
0x70: {  	s22 =	simm.s32 $0x10A00  }
0x71: {  	[tilespmem:s22], [sflag:$0x3] =	stream.indirect_vreg.gather [hbm4b:s5+s3], $0x80, v2, vm0, $0xb8;
	[tilespmem:$0x18200] =	vst v63  }
0x72: {  	s25 =	simm.s32 $0x11200  }
0x73: {  	[tilespmem:s25], [sflag:$0x3] =	stream.indirect_vreg.gather [hbm4b:s6+s3], $0x80, v2, vm0, $0xb8;
	[tilespmem:$0x18200] =	vst v63  }
0x74: {  	s26 =	simm.s32 $0x11A00  }
0x75: {  	[tilespmem:s26], [sflag:$0x3] =	stream.indirect_vreg.gather [hbm4b:s7+s3], $0x80, v2, vm0, $0xb8;
	[tilespmem:$0x18200] =	vst v63  }
0x76: {  	s29 =	simm.s32 $0x12200  }
0x77: {  	[tilespmem:s29], [sflag:$0x3] =	stream.indirect_vreg.gather [hbm4b:s8+s3], $0x80, v2, vm0, $0xb8;
	[tilespmem:$0x18200] =	vst v63  }
0x78: {  	s30 =	simm.s32 $0x12A00  }
0x79: {  	[tilespmem:s30], [sflag:$0x3] =	stream.indirect_vreg.gather [hbm4b:s9+s3], $0x80, v2, vm0, $0xb8;
	[tilespmem:$0x18200] =	vst v63  }
0x7a: {  	s21 =	simm.s32 $0x13200  }
0x7b: {  	[tilespmem:s21], [sflag:$0x3] =	stream.indirect_vreg.gather [hbm4b:s10+s3], $0x80, v2, vm0, $0xb8;
	[tilespmem:$0x18200] =	vst v63  }
0x7c: {  	s22 =	simm.s32 $0x13A00  }
0x7d: {  	[tilespmem:s22], [sflag:$0x3] =	stream.indirect_vreg.gather [hbm4b:s11+s3], $0x80, v2, vm0, $0xb8;
	[tilespmem:$0x18200] =	vst v63  }
0x7e: {  	s25 =	simm.s32 $0x14200  }
0x7f: {  	[tilespmem:s25], [sflag:$0x3] =	stream.indirect_vreg.gather [hbm4b:s12+s3], $0x80, v2, vm0, $0xb8;
	[tilespmem:$0x18200] =	vst v63  }
0x80: {  	s26 =	simm.s32 $0x14A00  }
0x81: {  	[tilespmem:s26], [sflag:$0x3] =	stream.indirect_vreg.gather [hbm4b:s13+s3], $0x80, v2, vm0, $0xb8;
	[tilespmem:$0x18200] =	vst v63  }
0x82: {  	s29 =	simm.s32 $0x15200  }
0x83: {  	[tilespmem:s29], [sflag:$0x3] =	stream.indirect_vreg.gather [hbm4b:s14+s3], $0x80, v2, vm0, $0xb8;
	[tilespmem:$0x18200] =	vst v63  }
0x84: {  	s30 =	simm.s32 $0x15A00  }
0x85: {  	[tilespmem:s30], [sflag:$0x3] =	stream.indirect_vreg.gather [hbm4b:s15+s3], $0x80, v2, vm0, $0xb8;
	[tilespmem:$0x18200] =	vst v63  }
0x86: {  	s21 =	simm.s32 $0x16200  }
0x87: {  	[tilespmem:s21], [sflag:$0x3] =	stream.indirect_vreg.gather [hbm4b:s16+s3], $0x80, v2, vm0, $0xb8;
	[tilespmem:$0x18200] =	vst v63  }
0x88: {  	s22 =	simm.s32 $0x16A00  }
0x89: {  	[tilespmem:s22], [sflag:$0x3] =	stream.indirect_vreg.gather [hbm4b:s17+s3], $0x80, v2, vm0, $0xb8;
	[tilespmem:$0x18200] =	vst v63  }
0x8a: {  	s25 =	simm.s32 $0x17200  }
0x8b: {  	[tilespmem:s25], [sflag:$0x3] =	stream.indirect_vreg.gather [hbm4b:s18+s3], $0x80, v2, vm0, $0xb8;
	[tilespmem:$0x18200] =	vst v63  }
0x8c: {  	s26 =	simm.s32 $0x17A00  }
0x8d: {  	[tilespmem:s26], [sflag:$0x3] =	stream.indirect_vreg.gather [hbm4b:s20+s3], $0x80, v2, vm0, $0xb8;
	[tilespmem:$0x18200] =	vst v63  }
0x8e: {  	_ =	swait.ge [sflag:s0], $0x8000  }
0x8f: {  	s28 =	simm.s32 $0x0;
	s30 =	simm.s32 $0x200;
	[sflag:s0] =	ssyncset.done $0x0  }
0x90: {  	s25 =	simm.s32 $0x28;
	s29 =	rddreg [dreg:$0x6];
	[sflag:s0] =	ssyncadd.s32 $0xFFFF8000  }
0x91: {  	[hbm4b:s29+s3] =	stream.linear.scatter [tilespmem:s30], [sflag:$0x4], $0x8000, $0x38;
	[tilespmem:$0x18200] =	vst v63  }
.LBB2_2:
0x92: {  	_ =	swait.ge [sflag:s23], $0x8000  }
0x93: {  	[sflag:s23] =	ssyncset.done $0x0  }
0x94: {  	[sflag:s23] =	ssyncadd.s32 $0xFFFF8000  }
0x95: {  	v2 =	vld.msk [tilespmem:s25+$0xFFFFFFF0], $0xff;
	_ =	sdelay $0x4  }
0x96: {  	v3 =	vshll.u32 v2, $0x5  }
0x97: {  	v2 =	vand.u32 $0x7, v2;
	v3 =	vand.u32 $0xFFFFFF00, v3  }
0x98: {  	v2 =	vor.u32 v2, v3  }
0x99: {  	v2 =	vperm.xlane v2, v0;
	_ =	sdelay $0x1  }
0x9a: {  	v2 =	vadd.s32 v1, v2;
	_ =	sdelay $0x3  }
0x9b: {  	s30 =	simm.s32 $0x200  }
0x9c: {  	[tilespmem:s30], [sflag:$0x1] =	stream.indirect_vreg.gather [hbm4b:s2+s3], $0x80, v2, vm0, $0xb8;
	[tilespmem:$0x18200] =	vst v63  }
0x9d: {  	s1 =	simm.s32 $0xA00  }
0x9e: {  	[tilespmem:s1], [sflag:$0x1] =	stream.indirect_vreg.gather [hbm4b:s5+s3], $0x80, v2, vm0, $0xb8;
	[tilespmem:$0x18200] =	vst v63  }
0x9f: {  	s21 =	simm.s32 $0x1200  }
0xa0: {  	[tilespmem:s21], [sflag:$0x1] =	stream.indirect_vreg.gather [hbm4b:s6+s3], $0x80, v2, vm0, $0xb8;
	[tilespmem:$0x18200] =	vst v63  }
0xa1: {  	s22 =	simm.s32 $0x1A00  }
0xa2: {  	[tilespmem:s22], [sflag:$0x1] =	stream.indirect_vreg.gather [hbm4b:s7+s3], $0x80, v2, vm0, $0xb8;
	[tilespmem:$0x18200] =	vst v63  }
0xa3: {  	s26 =	simm.s32 $0x2200  }
0xa4: {  	[tilespmem:s26], [sflag:$0x1] =	stream.indirect_vreg.gather [hbm4b:s8+s3], $0x80, v2, vm0, $0xb8;
	[tilespmem:$0x18200] =	vst v63  }
0xa5: {  	s29 =	simm.s32 $0x2A00  }
0xa6: {  	[tilespmem:s29], [sflag:$0x1] =	stream.indirect_vreg.gather [hbm4b:s9+s3], $0x80, v2, vm0, $0xb8;
	[tilespmem:$0x18200] =	vst v63  }
0xa7: {  	s21 =	simm.s32 $0x3200  }
0xa8: {  	[tilespmem:s21], [sflag:$0x1] =	stream.indirect_vreg.gather [hbm4b:s10+s3], $0x80, v2, vm0, $0xb8;
	[tilespmem:$0x18200] =	vst v63  }
0xa9: {  	s22 =	simm.s32 $0x3A00  }
0xaa: {  	[tilespmem:s22], [sflag:$0x1] =	stream.indirect_vreg.gather [hbm4b:s11+s3], $0x80, v2, vm0, $0xb8;
	[tilespmem:$0x18200] =	vst v63  }
0xab: {  	s26 =	simm.s32 $0x4200  }
0xac: {  	[tilespmem:s26], [sflag:$0x1] =	stream.indirect_vreg.gather [hbm4b:s12+s3], $0x80, v2, vm0, $0xb8;
	[tilespmem:$0x18200] =	vst v63  }
0xad: {  	s29 =	simm.s32 $0x4A00  }
0xae: {  	[tilespmem:s29], [sflag:$0x1] =	stream.indirect_vreg.gather [hbm4b:s13+s3], $0x80, v2, vm0, $0xb8;
	[tilespmem:$0x18200] =	vst v63  }
0xaf: {  	s21 =	simm.s32 $0x5200  }
0xb0: {  	[tilespmem:s21], [sflag:$0x1] =	stream.indirect_vreg.gather [hbm4b:s14+s3], $0x80, v2, vm0, $0xb8;
	[tilespmem:$0x18200] =	vst v63  }
0xb1: {  	s22 =	simm.s32 $0x5A00  }
0xb2: {  	[tilespmem:s22], [sflag:$0x1] =	stream.indirect_vreg.gather [hbm4b:s15+s3], $0x80, v2, vm0, $0xb8;
	[tilespmem:$0x18200] =	vst v63  }
0xb3: {  	s26 =	simm.s32 $0x6200  }
0xb4: {  	[tilespmem:s26], [sflag:$0x1] =	stream.indirect_vreg.gather [hbm4b:s16+s3], $0x80, v2, vm0, $0xb8;
	[tilespmem:$0x18200] =	vst v63  }
0xb5: {  	s29 =	simm.s32 $0x6A00  }
0xb6: {  	[tilespmem:s29], [sflag:$0x1] =	stream.indirect_vreg.gather [hbm4b:s17+s3], $0x80, v2, vm0, $0xb8;
	[tilespmem:$0x18200] =	vst v63  }
0xb7: {  	s21 =	simm.s32 $0x7200  }
0xb8: {  	[tilespmem:s21], [sflag:$0x1] =	stream.indirect_vreg.gather [hbm4b:s18+s3], $0x80, v2, vm0, $0xb8;
	[tilespmem:$0x18200] =	vst v63  }
0xb9: {  	s22 =	simm.s32 $0x7A00  }
0xba: {  	[tilespmem:s22], [sflag:$0x1] =	stream.indirect_vreg.gather [hbm4b:s20+s3], $0x80, v2, vm0, $0xb8;
	[tilespmem:$0x18200] =	vst v63  }
0xbb: {  	_ =	swait.ge [sflag:s4], $0x8000  }
0xbc: {  	s26 =	rddreg [dreg:$0x4]  }
0xbd: {  	[sflag:s4] =	ssyncset.done $0x0;
	s1 =	sadd.s32 s28, s26  }
0xbe: {  	s22 =	simm.s32 $0x8200;
	[sflag:s4] =	ssyncadd.s32 $0xFFFF8000;
	s29 =	sadd.s32 $0x1000, s1  }
0xbf: {  	[hbm4b:s29+s3] =	stream.linear.scatter [tilespmem:s22], [sflag:$0x5], $0x8000, $0x38;
	[tilespmem:$0x18200] =	vst v63  }
0xc0: {  	_ =	swait.ge [sflag:s24], $0x8000  }
0xc1: {  	[sflag:s24] =	ssyncset.done $0x0  }
0xc2: {  	[sflag:s24] =	ssyncadd.s32 $0xFFFF8000  }
0xc3: {  	v2 =	vld.msk [tilespmem:s25+$0xFFFFFFF8], $0xff;
	_ =	sdelay $0x4  }
0xc4: {  	v3 =	vshll.u32 v2, $0x5  }
0xc5: {  	v2 =	vand.u32 $0x7, v2;
	v3 =	vand.u32 $0xFFFFFF00, v3  }
0xc6: {  	v2 =	vor.u32 v2, v3  }
0xc7: {  	v2 =	vperm.xlane v2, v0;
	_ =	sdelay $0x1  }
0xc8: {  	v2 =	vadd.s32 v1, v2;
	_ =	sdelay $0x4  }
0xc9: {  	[tilespmem:s22], [sflag:$0x2] =	stream.indirect_vreg.gather [hbm4b:s2+s3], $0x80, v2, vm0, $0xb8;
	[tilespmem:$0x18200] =	vst v63  }
0xca: {  	s29 =	simm.s32 $0x8A00  }
0xcb: {  	[tilespmem:s29], [sflag:$0x2] =	stream.indirect_vreg.gather [hbm4b:s5+s3], $0x80, v2, vm0, $0xb8;
	[tilespmem:$0x18200] =	vst v63  }
0xcc: {  	s26 =	simm.s32 $0x9200  }
0xcd: {  	[tilespmem:s26], [sflag:$0x2] =	stream.indirect_vreg.gather [hbm4b:s6+s3], $0x80, v2, vm0, $0xb8;
	[tilespmem:$0x18200] =	vst v63  }
0xce: {  	s29 =	simm.s32 $0x9A00  }
0xcf: {  	[tilespmem:s29], [sflag:$0x2] =	stream.indirect_vreg.gather [hbm4b:s7+s3], $0x80, v2, vm0, $0xb8;
	[tilespmem:$0x18200] =	vst v63  }
0xd0: {  	s26 =	simm.s32 $0xA200  }
0xd1: {  	[tilespmem:s26], [sflag:$0x2] =	stream.indirect_vreg.gather [hbm4b:s8+s3], $0x80, v2, vm0, $0xb8;
	[tilespmem:$0x18200] =	vst v63  }
0xd2: {  	s29 =	simm.s32 $0xAA00  }
0xd3: {  	[tilespmem:s29], [sflag:$0x2] =	stream.indirect_vreg.gather [hbm4b:s9+s3], $0x80, v2, vm0, $0xb8;
	[tilespmem:$0x18200] =	vst v63  }
0xd4: {  	s26 =	simm.s32 $0xB200  }
0xd5: {  	[tilespmem:s26], [sflag:$0x2] =	stream.indirect_vreg.gather [hbm4b:s10+s3], $0x80, v2, vm0, $0xb8;
	[tilespmem:$0x18200] =	vst v63  }
0xd6: {  	s29 =	simm.s32 $0xBA00  }
0xd7: {  	[tilespmem:s29], [sflag:$0x2] =	stream.indirect_vreg.gather [hbm4b:s11+s3], $0x80, v2, vm0, $0xb8;
	[tilespmem:$0x18200] =	vst v63  }
0xd8: {  	s26 =	simm.s32 $0xC200  }
0xd9: {  	[tilespmem:s26], [sflag:$0x2] =	stream.indirect_vreg.gather [hbm4b:s12+s3], $0x80, v2, vm0, $0xb8;
	[tilespmem:$0x18200] =	vst v63  }
0xda: {  	s29 =	simm.s32 $0xCA00  }
0xdb: {  	[tilespmem:s29], [sflag:$0x2] =	stream.indirect_vreg.gather [hbm4b:s13+s3], $0x80, v2, vm0, $0xb8;
	[tilespmem:$0x18200] =	vst v63  }
0xdc: {  	s26 =	simm.s32 $0xD200  }
0xdd: {  	[tilespmem:s26], [sflag:$0x2] =	stream.indirect_vreg.gather [hbm4b:s14+s3], $0x80, v2, vm0, $0xb8;
	[tilespmem:$0x18200] =	vst v63  }
0xde: {  	s29 =	simm.s32 $0xDA00  }
0xdf: {  	[tilespmem:s29], [sflag:$0x2] =	stream.indirect_vreg.gather [hbm4b:s15+s3], $0x80, v2, vm0, $0xb8;
	[tilespmem:$0x18200] =	vst v63  }
0xe0: {  	s26 =	simm.s32 $0xE200  }
0xe1: {  	[tilespmem:s26], [sflag:$0x2] =	stream.indirect_vreg.gather [hbm4b:s16+s3], $0x80, v2, vm0, $0xb8;
	[tilespmem:$0x18200] =	vst v63  }
0xe2: {  	s29 =	simm.s32 $0xEA00  }
0xe3: {  	[tilespmem:s29], [sflag:$0x2] =	stream.indirect_vreg.gather [hbm4b:s17+s3], $0x80, v2, vm0, $0xb8;
	[tilespmem:$0x18200] =	vst v63  }
0xe4: {  	s26 =	simm.s32 $0xF200  }
0xe5: {  	[tilespmem:s26], [sflag:$0x2] =	stream.indirect_vreg.gather [hbm4b:s18+s3], $0x80, v2, vm0, $0xb8;
	[tilespmem:$0x18200] =	vst v63  }
0xe6: {  	s29 =	simm.s32 $0xFA00  }
0xe7: {  	[tilespmem:s29], [sflag:$0x2] =	stream.indirect_vreg.gather [hbm4b:s20+s3], $0x80, v2, vm0, $0xb8;
	[tilespmem:$0x18200] =	vst v63  }
0xe8: {  	_ =	swait.ge [sflag:s19], $0x8000  }
0xe9: {  	[sflag:s19] =	ssyncset.done $0x0  }
0xea: {  	s22 =	sadd.s32 $0x2000, s1;
	s26 =	simm.s32 $0x10200;
	[sflag:s19] =	ssyncadd.s32 $0xFFFF8000  }
0xeb: {  	[hbm4b:s22+s3] =	stream.linear.scatter [tilespmem:s26], [sflag:$0x6], $0x8000, $0x38;
	[tilespmem:$0x18200] =	vst v63  }
0xec: {  	_ =	swait.ge [sflag:s31], $0x8000  }
0xed: {  	[sflag:s31] =	ssyncset.done $0x0  }
0xee: {  	[sflag:s31] =	ssyncadd.s32 $0xFFFF8000  }
0xef: {  	v2 =	vld.msk [tilespmem:s25+$0x0], $0xff;
	_ =	sdelay $0x4  }
0xf0: {  	v3 =	vshll.u32 v2, $0x5  }
0xf1: {  	v2 =	vand.u32 $0x7, v2;
	v3 =	vand.u32 $0xFFFFFF00, v3  }
0xf2: {  	v2 =	vor.u32 v2, v3  }
0xf3: {  	v2 =	vperm.xlane v2, v0;
	_ =	sdelay $0x1  }
0xf4: {  	v2 =	vadd.s32 v1, v2;
	_ =	sdelay $0x4  }
0xf5: {  	[tilespmem:s26], [sflag:$0x3] =	stream.indirect_vreg.gather [hbm4b:s2+s3], $0x80, v2, vm0, $0xb8;
	[tilespmem:$0x18200] =	vst v63  }
0xf6: {  	s29 =	simm.s32 $0x10A00  }
0xf7: {  	[tilespmem:s29], [sflag:$0x3] =	stream.indirect_vreg.gather [hbm4b:s5+s3], $0x80, v2, vm0, $0xb8;
	[tilespmem:$0x18200] =	vst v63  }
0xf8: {  	s29 =	simm.s32 $0x11200  }
0xf9: {  	[tilespmem:s29], [sflag:$0x3] =	stream.indirect_vreg.gather [hbm4b:s6+s3], $0x80, v2, vm0, $0xb8;
	[tilespmem:$0x18200] =	vst v63  }
0xfa: {  	s29 =	simm.s32 $0x11A00  }
0xfb: {  	[tilespmem:s29], [sflag:$0x3] =	stream.indirect_vreg.gather [hbm4b:s7+s3], $0x80, v2, vm0, $0xb8;
	[tilespmem:$0x18200] =	vst v63  }
0xfc: {  	s29 =	simm.s32 $0x12200  }
0xfd: {  	[tilespmem:s29], [sflag:$0x3] =	stream.indirect_vreg.gather [hbm4b:s8+s3], $0x80, v2, vm0, $0xb8;
	[tilespmem:$0x18200] =	vst v63  }
0xfe: {  	s29 =	simm.s32 $0x12A00  }
0xff: {  	[tilespmem:s29], [sflag:$0x3] =	stream.indirect_vreg.gather [hbm4b:s9+s3], $0x80, v2, vm0, $0xb8;
	[tilespmem:$0x18200] =	vst v63  }
0x100: {  	s29 =	simm.s32 $0x13200  }
0x101: {  	[tilespmem:s29], [sflag:$0x3] =	stream.indirect_vreg.gather [hbm4b:s10+s3], $0x80, v2, vm0, $0xb8;
	[tilespmem:$0x18200] =	vst v63  }
0x102: {  	s29 =	simm.s32 $0x13A00  }
0x103: {  	[tilespmem:s29], [sflag:$0x3] =	stream.indirect_vreg.gather [hbm4b:s11+s3], $0x80, v2, vm0, $0xb8;
	[tilespmem:$0x18200] =	vst v63  }
0x104: {  	s29 =	simm.s32 $0x14200  }
0x105: {  	[tilespmem:s29], [sflag:$0x3] =	stream.indirect_vreg.gather [hbm4b:s12+s3], $0x80, v2, vm0, $0xb8;
	[tilespmem:$0x18200] =	vst v63  }
0x106: {  	s29 =	simm.s32 $0x14A00  }
0x107: {  	[tilespmem:s29], [sflag:$0x3] =	stream.indirect_vreg.gather [hbm4b:s13+s3], $0x80, v2, vm0, $0xb8;
	[tilespmem:$0x18200] =	vst v63  }
0x108: {  	s29 =	simm.s32 $0x15200  }
0x109: {  	[tilespmem:s29], [sflag:$0x3] =	stream.indirect_vreg.gather [hbm4b:s14+s3], $0x80, v2, vm0, $0xb8;
	[tilespmem:$0x18200] =	vst v63  }
0x10a: {  	s29 =	simm.s32 $0x15A00  }
0x10b: {  	[tilespmem:s29], [sflag:$0x3] =	stream.indirect_vreg.gather [hbm4b:s15+s3], $0x80, v2, vm0, $0xb8;
	[tilespmem:$0x18200] =	vst v63  }
0x10c: {  	s29 =	simm.s32 $0x16200  }
0x10d: {  	[tilespmem:s29], [sflag:$0x3] =	stream.indirect_vreg.gather [hbm4b:s16+s3], $0x80, v2, vm0, $0xb8;
	[tilespmem:$0x18200] =	vst v63  }
0x10e: {  	s29 =	simm.s32 $0x16A00  }
0x10f: {  	[tilespmem:s29], [sflag:$0x3] =	stream.indirect_vreg.gather [hbm4b:s17+s3], $0x80, v2, vm0, $0xb8;
	[tilespmem:$0x18200] =	vst v63  }
0x110: {  	s29 =	simm.s32 $0x17200  }
0x111: {  	[tilespmem:s29], [sflag:$0x3] =	stream.indirect_vreg.gather [hbm4b:s18+s3], $0x80, v2, vm0, $0xb8;
	[tilespmem:$0x18200] =	vst v63  }
0x112: {  	p0 =	sne.s32 s28, $0x39000;
	s29 =	simm.s32 $0x17A00  }
0x113: {  	[tilespmem:s29], [sflag:$0x3] =	stream.indirect_vreg.gather [hbm4b:s20+s3], $0x80, v2, vm0, $0xb8;
	[tilespmem:$0x18200] =	vst v63  }
.Ltmp0:
0x114: {  	_ = 	snop;
	(pc) =	sbr.rel @p0 .LBB2_2-.Ltmp0, $4  }
0x115: {  	s21 =	simm.s32 $0x8200;
	_ =	swait.ge [sflag:s0], $0x8000  }
0x116: {  	s28 =	sadd.s32 $0x3000, s28;
	s1 =	sadd.s32 $0x3000, s1;
	[sflag:s0] =	ssyncset.done $0x0  }
0x117: {  	s22 =	simm.s32 $0x10200;
	s25 =	sadd.s32 $0x18, s25;
	[sflag:s0] =	ssyncadd.s32 $0xFFFF8000  }
0x118: {  	[hbm4b:s1+s3] =	stream.linear.scatter [tilespmem:s30], [sflag:$0x4], $0x8000, $0x38;
	[tilespmem:$0x18200] =	vst v63  }
0x119: {  	_ =	swait.ge [sflag:s23], $0x8000  }
0x11a: {  	[sflag:s23] =	ssyncset.done $0x0  }
0x11b: {  	[sflag:s23] =	ssyncadd.s32 $0xFFFF8000  }
0x11c: {  	v2 =	vld.msk [tilespmem:$0x1F8], $0xff;
	_ =	sdelay $0x4  }
0x11d: {  	v3 =	vshll.u32 v2, $0x5  }
0x11e: {  	v2 =	vand.u32 $0x7, v2;
	v3 =	vand.u32 $0xFFFFFF00, v3  }
0x11f: {  	v2 =	vor.u32 v2, v3  }
0x120: {  	v2 =	vperm.xlane v2, v0;
	_ =	sdelay $0x1  }
0x121: {  	v2 =	vadd.s32 v1, v2;
	_ =	sdelay $0x3  }
0x122: {  	s25 =	simm.s32 $0x200  }
0x123: {  	[tilespmem:s25], [sflag:$0x1] =	stream.indirect_vreg.gather [hbm4b:s2+s3], $0x80, v2, vm0, $0xb8;
	[tilespmem:$0x18200] =	vst v63  }
0x124: {  	s1 =	simm.s32 $0xA00  }
0x125: {  	[tilespmem:s1], [sflag:$0x1] =	stream.indirect_vreg.gather [hbm4b:s5+s3], $0x80, v2, vm0, $0xb8;
	[tilespmem:$0x18200] =	vst v63  }
0x126: {  	s26 =	simm.s32 $0x1200  }
0x127: {  	[tilespmem:s26], [sflag:$0x1] =	stream.indirect_vreg.gather [hbm4b:s6+s3], $0x80, v2, vm0, $0xb8;
	[tilespmem:$0x18200] =	vst v63  }
0x128: {  	s26 =	simm.s32 $0x1A00  }
0x129: {  	[tilespmem:s26], [sflag:$0x1] =	stream.indirect_vreg.gather [hbm4b:s7+s3], $0x80, v2, vm0, $0xb8;
	[tilespmem:$0x18200] =	vst v63  }
0x12a: {  	s26 =	simm.s32 $0x2200  }
0x12b: {  	[tilespmem:s26], [sflag:$0x1] =	stream.indirect_vreg.gather [hbm4b:s8+s3], $0x80, v2, vm0, $0xb8;
	[tilespmem:$0x18200] =	vst v63  }
0x12c: {  	s26 =	simm.s32 $0x2A00  }
0x12d: {  	[tilespmem:s26], [sflag:$0x1] =	stream.indirect_vreg.gather [hbm4b:s9+s3], $0x80, v2, vm0, $0xb8;
	[tilespmem:$0x18200] =	vst v63  }
0x12e: {  	s26 =	simm.s32 $0x3200  }
0x12f: {  	[tilespmem:s26], [sflag:$0x1] =	stream.indirect_vreg.gather [hbm4b:s10+s3], $0x80, v2, vm0, $0xb8;
	[tilespmem:$0x18200] =	vst v63  }
0x130: {  	s26 =	simm.s32 $0x3A00  }
0x131: {  	[tilespmem:s26], [sflag:$0x1] =	stream.indirect_vreg.gather [hbm4b:s11+s3], $0x80, v2, vm0, $0xb8;
	[tilespmem:$0x18200] =	vst v63  }
0x132: {  	s26 =	simm.s32 $0x4200  }
0x133: {  	[tilespmem:s26], [sflag:$0x1] =	stream.indirect_vreg.gather [hbm4b:s12+s3], $0x80, v2, vm0, $0xb8;
	[tilespmem:$0x18200] =	vst v63  }
0x134: {  	s26 =	simm.s32 $0x4A00  }
0x135: {  	[tilespmem:s26], [sflag:$0x1] =	stream.indirect_vreg.gather [hbm4b:s13+s3], $0x80, v2, vm0, $0xb8;
	[tilespmem:$0x18200] =	vst v63  }
0x136: {  	s26 =	simm.s32 $0x5200  }
0x137: {  	[tilespmem:s26], [sflag:$0x1] =	stream.indirect_vreg.gather [hbm4b:s14+s3], $0x80, v2, vm0, $0xb8;
	[tilespmem:$0x18200] =	vst v63  }
0x138: {  	s26 =	simm.s32 $0x5A00  }
0x139: {  	[tilespmem:s26], [sflag:$0x1] =	stream.indirect_vreg.gather [hbm4b:s15+s3], $0x80, v2, vm0, $0xb8;
	[tilespmem:$0x18200] =	vst v63  }
0x13a: {  	s26 =	simm.s32 $0x6200  }
0x13b: {  	[tilespmem:s26], [sflag:$0x1] =	stream.indirect_vreg.gather [hbm4b:s16+s3], $0x80, v2, vm0, $0xb8;
	[tilespmem:$0x18200] =	vst v63  }
0x13c: {  	s26 =	simm.s32 $0x6A00  }
0x13d: {  	[tilespmem:s26], [sflag:$0x1] =	stream.indirect_vreg.gather [hbm4b:s17+s3], $0x80, v2, vm0, $0xb8;
	[tilespmem:$0x18200] =	vst v63  }
0x13e: {  	s26 =	simm.s32 $0x7200  }
0x13f: {  	[tilespmem:s26], [sflag:$0x1] =	stream.indirect_vreg.gather [hbm4b:s18+s3], $0x80, v2, vm0, $0xb8;
	[tilespmem:$0x18200] =	vst v63  }
0x140: {  	s26 =	simm.s32 $0x7A00  }
0x141: {  	[tilespmem:s26], [sflag:$0x1] =	stream.indirect_vreg.gather [hbm4b:s20+s3], $0x80, v2, vm0, $0xb8;
	[tilespmem:$0x18200] =	vst v63  }
0x142: {  	_ =	swait.ge [sflag:s4], $0x8000  }
0x143: {  	[sflag:s4] =	ssyncset.done $0x0  }
0x144: {  	s26 =	rddreg [dreg:$0x7];
	[sflag:s4] =	ssyncadd.s32 $0xFFFF8000  }
0x145: {  	[hbm4b:s26+s3] =	stream.linear.scatter [tilespmem:s21], [sflag:$0x5], $0x8000, $0x38;
	[tilespmem:$0x18200] =	vst v63  }
0x146: {  	_ =	swait.ge [sflag:s19], $0x8000  }
0x147: {  	[sflag:s19] =	ssyncset.done $0x0  }
0x148: {  	s26 =	rddreg [dreg:$0x8];
	[sflag:s19] =	ssyncadd.s32 $0xFFFF8000  }
0x149: {  	[hbm4b:s26+s3] =	stream.linear.scatter [tilespmem:s22], [sflag:$0x6], $0x8000, $0x38;
	[tilespmem:$0x18200] =	vst v63  }
0x14a: {  	_ =	swait.ge [sflag:s0], $0x8000  }
0x14b: {  	[sflag:s0] =	ssyncset.done $0x0  }
0x14c: {  	s26 =	rddreg [dreg:$0x9];
	[sflag:s0] =	ssyncadd.s32 $0xFFFF8000  }
0x14d: {  	[hbm4b:s26+s3] =	stream.linear.scatter [tilespmem:s25], [sflag:$0x4], $0x8000, $0x38;
	[tilespmem:$0x18200] =	vst v63  }
0x14e: {  	_ =	swait.ge [sflag:s24], $0x8000  }
0x14f: {  	[sflag:s24] =	ssyncset.done $0x0  }
0x150: {  	[sflag:s24] =	ssyncadd.s32 $0xFFFF8000  }
0x151: {  	_ =	swait.ge [sflag:s31], $0x8000  }
0x152: {  	[sflag:s31] =	ssyncset.done $0x0  }
0x153: {  	[sflag:s31] =	ssyncadd.s32 $0xFFFF8000  }
0x154: {  	_ =	swait.ge [sflag:s23], $0x8000  }
0x155: {  	s1 =	rddreg [dreg:$0xb]  }
0x156: {  	s26 =	rddreg [dreg:$0xa];
	s25 =	sadd.s32 $0x1, s1  }
0x157: {  	p0 =	sne.s32 s25, s26  }
.Ltmp1:
0x158: {  	_ = 	snop;
	(pc) =	sbr.rel @p0 .LBB2_1-.Ltmp1, $4  }
0x159: {  	_ = 	snop  }
0x15a: {  	s28 =	simm.s32 $0x9A00;
	[sflag:s23] =	ssyncset.done $0x0  }
0x15b: {  	s29 =	simm.s32 $0xA200;
	s30 =	simm.s32 $0xAA00;
	[sflag:s23] =	ssyncadd.s32 $0xFFFF8000  }
0x15c: {  	[dreg:$0xb] =	wrdreg s25;
	s26 =	simm.s32 $0x8A00;
	s25 =	simm.s32 $0x9200  }
0x15d: {  	_ =	sfence.sel $0x180000  }
0x15e: {  	[bflag:$0x0] =	sbarrier.arrive $0xFFFF  }
0x15f: {  	_ =	strace $0x90000047  }
0x160: {  	s0 =	stileid.u32;
	[bflag:$0x2] =	sbarrier.arrive $0xFFFF  }
0x161: {  	p0 =	sne.s32 s0, $0x0;
	s0 =	rddreg [dreg:$0x3]  }
0x162: {  	s0 =	sadd.s32 @!p0 $0x100000, s0  }
0x163: {  	[sflag:s0] =	ssyncadd.tile.s32 @!p0 $0x1;
	_ =	shalt  }
.Lfunc_end2:
_tile_overlayer_lowered:
.L_overlay_start_2:
0x164: {  	(tag) =	ssettag $0x2  }
0x165: {  	s0 =	rddreg [dreg:$0x0];
	s2 =	stileid.u32  }
0x166: {  	s1 =	rddreg [dreg:$0x1];
	p0 =	sne.s32 s2, $0x0  }
0x167: {  	s3 =	rddreg [dreg:$0x2];
	[bflag:$0x3] =	sbarrier.arrive $0xFFFF;
	s2 =	simm.s32 @!p0 $0x1C07  }
0x168: {  	[timem:s3], [sflag:s2] =	dma.local @!p0 [hbm:s0], s1  }
0x169: {  	s0 =	simm.s32 @!p0 $0x7  }
0x16a: {  	_ =	swait.ge @!p0 [sflag:s0], s1  }
0x16b: {  	s1 =	ssub.s32 @!p0 $0x0, s1;
	[sflag:s0] =	ssyncset.done @!p0 $0x0  }
0x16c: {  	[sflag:s0] =	ssyncadd.s32 @!p0 s1  }
0x16d: {  	[bflag:$0x3] =	sbarrier.arrive $0xFFFF  }
0x16e: {  	_ =	shalt  }

</sc_bundles>
